<compile_context>
chip_gen: v7x
topology: tpu7x:2x2x1
jax: 0.10.2.dev20260603
libtpu: 0.0.44.dev20260713+nightly
codegen_flags: <defaults>
</compile_context>

<pallas_src>
import functools

import jax
import jax.numpy as jnp
from jax import lax
from jax.experimental import pallas as pl
from jax.experimental.pallas import tpu as pltpu
from jax.experimental.pallas import tpu_sc as plsc

_N = 10000
_E = 320000
_D = 128
_H = 4
_C = 32
_B = 80
_NC = 2
_NS = 16
_NW = _NC * _NS
_EPW = _E // _NW
_NB = _EPW // _B
_NP = 10240
_RPS = _NP // _NS
_DR = 384
_DRS = _DR // _NS
_ROWBLK = 1000
_NEG = 0.2


def _proj_body(x_ref, w_ref, wb_ref, a_ref, h_ref, s_ref, hg_ref, sp_ref):
    h = jnp.dot(x_ref[...], w_ref[...], preferred_element_type=jnp.float32)
    h = h + wb_ref[...]
    h_ref[...] = h
    s = jnp.dot(h, a_ref[...], preferred_element_type=jnp.float32)
    s_ref[...] = s
    pad = jnp.zeros((h.shape[0], _D - 2 * _H), jnp.float32)
    hg_ref[...] = jnp.concatenate([h, s, pad], axis=1)
    sp_ref[...] = jnp.concatenate([s, pad], axis=1)


def _combine_body(a0_ref, a1_ref, d0_ref, d1_ref, h_ref, s_ref, b_ref,
                  r_ref, o_ref):
    s = s_ref[...]
    aa = s[:, 0:_H] + s[:, _H:2 * _H]
    aa = jnp.where(aa >= 0, aa, _NEG * aa)
    wself = jnp.exp(aa)
    rm = r_ref[...]
    wexp = jnp.dot(wself, rm, preferred_element_type=jnp.float32)
    num = a0_ref[...] + a1_ref[...] + wexp * h_ref[...]
    den = d0_ref[...] + d1_ref[...] + wself
    inv = 1.0 / (den + 1e-16)
    invexp = jnp.dot(inv, rm, preferred_element_type=jnp.float32)
    o_ref[...] = jnp.maximum(num * invexp + b_ref[...], 0.0)


def _sc_body(dst_hbm, src_hbm, hg_hbm, sp_hbm, z_hbm, num_hbm, den_hbm,
             dst_v, src_v, dsc_v, drow_v, rows_v, wrow_v, w_v, aid_v,
             acc_sh, den_sh, sem, sem2, sem4, sem5):
    c = lax.axis_index("c")
    s = lax.axis_index("s")
    wid = s * _NC + c
    pltpu.sync_copy(z_hbm, acc_sh.at[pl.ds(s * _RPS, _RPS)])
    pltpu.sync_copy(z_hbm.at[pl.ds(0, _DRS)], den_sh.at[pl.ds(s * _DRS, _DRS)])
    plsc.subcore_barrier()

    idx16 = lax.iota(jnp.int32, 16)
    zero16 = jnp.zeros((16,), jnp.float32)

    def batch(b, carry):
        base = wid * _EPW + b * _B
        pltpu.sync_copy(dst_hbm.at[pl.ds(base, _B)], dst_v)
        pltpu.sync_copy(src_hbm.at[pl.ds(base, _B)], src_v)
        cp1 = pltpu.async_copy(hg_hbm.at[src_v], rows_v, sem)

        @pl.when(b > 0)
        def _drain():
            pltpu.make_async_copy(aid_v, acc_sh.at[dsc_v], sem4).wait()
            pltpu.make_async_copy(wrow_v, den_sh.at[drow_v], sem5).wait()

        cp2 = pltpu.async_copy(sp_hbm.at[dst_v], aid_v, sem2)

        def wipe(r, carry2):
            for k in range(_D // 16):
                wrow_v[r, pl.ds(k * 16, 16)] = zero16
            return carry2

        lax.fori_loop(0, _B, wipe, 0)
        cp1.wait()
        cp2.wait()

        for g in range(_B // 16):
            d16 = dst_v[pl.ds(g * 16, 16)]
            s16 = src_v[pl.ds(g * 16, 16)]
            valid = d16 != s16
            col0 = (d16 & 31) * _H
            row16 = idx16 + g * 16
            for hh in range(_H):
                hh16 = jnp.full((16,), hh, jnp.int32)
                ai = plsc.load_gather(aid_v, [row16, hh16])
                aj = plsc.load_gather(rows_v, [row16, hh16 + _D + _H])
                a = ai + aj
                a = jnp.where(a >= 0, a, _NEG * a)
                w = jnp.where(valid, jnp.exp(a), zero16)
                w_v[pl.ds(hh * _B + g * 16, 16)] = w
                plsc.store_scatter(wrow_v, [row16, col0 + hh], w)
            drow_v[pl.ds(g * 16, 16)] = lax.shift_right_logical(d16, 5)

        def edge(r, carry2):
            r16 = jnp.full((16,), r, jnp.int32)
            wb = [plsc.load_gather(w_v, [r16 + hh * _B]) for hh in range(_H)]
            for k in range(_D // 16):
                aid_v[r, pl.ds(k * 16, 16)] = (
                    rows_v[r, pl.ds(k * 16, 16)] * wb[k // 2])
            return carry2

        lax.fori_loop(0, _B, edge, 0)
        for t in range(_B // 16):
            dsc_v[pl.ds(t * 16, 16)] = dst_v[pl.ds(t * 16, 16)]
        pltpu.async_copy(aid_v, acc_sh.at[dsc_v], sem4, add=True)
        pltpu.async_copy(wrow_v, den_sh.at[drow_v], sem5, add=True)
        return carry

    lax.fori_loop(0, _NB, batch, 0)
    pltpu.make_async_copy(aid_v, acc_sh.at[dsc_v], sem4).wait()
    pltpu.make_async_copy(wrow_v, den_sh.at[drow_v], sem5).wait()
    plsc.subcore_barrier()
    pltpu.sync_copy(acc_sh.at[pl.ds(s * _RPS, _RPS)],
                    num_hbm.at[c, pl.ds(s * _RPS, _RPS)])
    pltpu.sync_copy(den_sh.at[pl.ds(s * _DRS, _DRS)],
                    den_hbm.at[c, pl.ds(s * _DRS, _DRS)])


_sc_call = functools.partial(
    pl.kernel,
    out_type=[
        jax.ShapeDtypeStruct((_NC, _NP, _D), jnp.float32),
        jax.ShapeDtypeStruct((_NC, _DR, _D), jnp.float32),
    ],
    compiler_params=pltpu.CompilerParams(needs_layout_passes=False),
    mesh=plsc.VectorSubcoreMesh(core_axis_name="c", subcore_axis_name="s",
                                num_cores=_NC, num_subcores=_NS),
    scratch_types=[
        pltpu.VMEM((_B,), jnp.int32),
        pltpu.VMEM((_B,), jnp.int32),
        pltpu.VMEM((_B,), jnp.int32),
        pltpu.VMEM((_B,), jnp.int32),
        pltpu.VMEM((_B, 2 * _D), jnp.float32),
        pltpu.VMEM((_B, _D), jnp.float32),
        pltpu.VMEM((2 * _H * _B,), jnp.float32),
        pltpu.VMEM((_B, _D), jnp.float32),
        pltpu.VMEM_SHARED((_NP, _D), jnp.float32),
        pltpu.VMEM_SHARED((_DR, _D), jnp.float32),
        pltpu.SemaphoreType.DMA,
        pltpu.SemaphoreType.DMA,
        pltpu.SemaphoreType.DMA,
        pltpu.SemaphoreType.DMA,
    ],
)(_sc_body)


def kernel(x, edge_index, W, Wb, att, bias):
    m = jnp.repeat(jnp.eye(_H, dtype=jnp.float32), _C, axis=0)
    a_dst = att[0, :, :_C].reshape(_D)
    a_src = att[0, :, _C:].reshape(_D)
    amat = jnp.concatenate([a_dst[:, None] * m, a_src[:, None] * m], axis=1)

    h, scal, haug, scalpad = pl.pallas_call(
        _proj_body,
        grid=(_N // _ROWBLK,),
        in_specs=[
            pl.BlockSpec((_ROWBLK, _D), lambda i: (i, 0)),
            pl.BlockSpec((_D, _D), lambda i: (0, 0)),
            pl.BlockSpec((1, _D), lambda i: (0, 0)),
            pl.BlockSpec((_D, 2 * _H), lambda i: (0, 0)),
        ],
        out_specs=[
            pl.BlockSpec((_ROWBLK, _D), lambda i: (i, 0)),
            pl.BlockSpec((_ROWBLK, 2 * _H), lambda i: (i, 0)),
            pl.BlockSpec((_ROWBLK, 2 * _D), lambda i: (i, 0)),
            pl.BlockSpec((_ROWBLK, _D), lambda i: (i, 0)),
        ],
        out_shape=[
            jax.ShapeDtypeStruct((_N, _D), jnp.float32),
            jax.ShapeDtypeStruct((_N, 2 * _H), jnp.float32),
            jax.ShapeDtypeStruct((_N, 2 * _D), jnp.float32),
            jax.ShapeDtypeStruct((_N, _D), jnp.float32),
        ],
    )(x, W, Wb.reshape(1, _D), amat)

    zeros = jnp.zeros((_RPS, _D), jnp.float32)
    num, den = _sc_call(edge_index[0], edge_index[1], haug, scalpad, zeros)
    den = den.reshape(_NC, _DR * _D)[:, :_N * _H].reshape(_NC, _N, _H)

    out = pl.pallas_call(
        _combine_body,
        grid=(_N // _ROWBLK,),
        in_specs=[
            pl.BlockSpec((_ROWBLK, _D), lambda i: (i, 0)),
            pl.BlockSpec((_ROWBLK, _D), lambda i: (i, 0)),
            pl.BlockSpec((_ROWBLK, _H), lambda i: (i, 0)),
            pl.BlockSpec((_ROWBLK, _H), lambda i: (i, 0)),
            pl.BlockSpec((_ROWBLK, _D), lambda i: (i, 0)),
            pl.BlockSpec((_ROWBLK, 2 * _H), lambda i: (i, 0)),
            pl.BlockSpec((1, _D), lambda i: (0, 0)),
            pl.BlockSpec((_H, _D), lambda i: (0, 0)),
        ],
        out_specs=pl.BlockSpec((_ROWBLK, _D), lambda i: (i, 0)),
        out_shape=jax.ShapeDtypeStruct((_N, _D), jnp.float32),
    )(num[0, :_N], num[1, :_N], den[0], den[1], h, scal,
      bias.reshape(1, _D), m.T)
    return out

# --- scband reference (transcript-rebuilt; emitter-appended) ---
"""Pipeline reference for scband-gatconv-68289980007158 (READ-ONLY COPY).

The authoritative reference and input builder live on the scoring server;
editing this copy changes nothing except your own understanding.
"""

import jax, jax.numpy as jnp
import numpy as np
import math

N_NODES = 10000
N_EDGES = 320000
D_IN = 128
D_OUT = 128
HEADS = 4
C = D_OUT // HEADS  # per-head out channels = 32
NEG_SLOPE = 0.2


def setup_inputs(seed: int = 0) -> dict:
    key = jax.random.key(seed)
    k1, k2, k3, k4, k5 = jax.random.split(key, 5)
    x = jax.random.normal(k1, (N_NODES, D_IN), dtype=jnp.float32)
    edge_index = jax.random.randint(k2, (2, N_EDGES), 0, N_NODES, dtype=jnp.int32)
    # linear: in_channels -> heads * C, glorot-ish init
    stdv_w = math.sqrt(6.0 / (D_IN + HEADS * C))
    W = jax.random.uniform(k3, (D_IN, HEADS * C), dtype=jnp.float32, minval=-stdv_w, maxval=stdv_w)
    Wb = jnp.zeros((HEADS * C,), dtype=jnp.float32)
    # att: [1, heads, 2*C], glorot
    stdv_a = math.sqrt(6.0 / (HEADS + 2 * C))
    att = jax.random.uniform(k4, (1, HEADS, 2 * C), dtype=jnp.float32, minval=-stdv_a, maxval=stdv_a)
    bias = jnp.zeros((D_OUT,), dtype=jnp.float32)
    return {"x": x, "edge_index": edge_index, "W": W, "Wb": Wb, "att": att, "bias": bias}


def reference(x, edge_index, W, Wb, att, bias):
    N = x.shape[0]
    # self-loop edges in the input are invalid (to be excluded); keep fixed shape
    mask = edge_index[0] != edge_index[1]
    # add self loops (always valid)
    loop = jnp.arange(N, dtype=edge_index.dtype)
    ei = jnp.concatenate([edge_index, jnp.stack([loop, loop], axis=0)], axis=1)
    emask = jnp.concatenate([mask, jnp.ones((N,), dtype=bool)], axis=0)
    edge_i = ei[0]
    edge_j = ei[1]
    # linear projection -> [N, heads, C]
    h = (x @ W + Wb).reshape(-1, HEADS, C)
    # gather endpoints
    x_i = h[edge_i]  # [E, heads, C]
    x_j = h[edge_j]  # [E, heads, C]
    # attention logits
    alpha = (jnp.concatenate([x_i, x_j], axis=-1) * att).sum(axis=-1)  # [E, heads]
    alpha = jnp.where(alpha >= 0, alpha, NEG_SLOPE * alpha)  # leaky_relu
    alpha = jnp.where(emask[:, None], alpha, -jnp.inf)
    # segment softmax over incoming edges of each dst node (edge_i)
    amax = jax.ops.segment_max(alpha, edge_i, num_segments=N)  # [N, heads]
    alpha = jnp.exp(alpha - amax[edge_i])
    asum = jax.ops.segment_sum(alpha, edge_i, num_segments=N)  # [N, heads]
    alpha = alpha / (asum[edge_i] + 1e-16)
    # weighted message aggregation (scatter-add)
    msg = alpha[:, :, None] * x_j  # [E, heads, C]
    out = jax.ops.segment_sum(msg, edge_i, num_segments=N)  # [N, heads, C]
    # concat heads
    out = out.reshape(-1, HEADS * C)
    out = out + bias
    out = jnp.maximum(out, 0.0)  # act = relu
    return out

if __name__ == "__main__":
    import jax
    _d = setup_inputs()
    print(jax.jit(kernel)(*tuple(_d.values())))

</pallas_src>

<mosaic_0001>
#map = affine_map<(d0, d1) -> (0)>
#map1 = affine_map<(d0, d1) -> (0, 0)>
#map2 = affine_map<(d0, d1) -> (0, 0, 0)>
module attributes {stable_mosaic.version = 14 : i64} {
  func.func @_sc_body(%arg0: i32, %arg1: i32, %arg2: memref<320000xi32, #tpu.memory_space<hbm>>, %arg3: memref<320000xi32, #tpu.memory_space<hbm>>, %arg4: memref<10000x256xf32, #tpu.memory_space<hbm>>, %arg5: memref<10000x128xf32, #tpu.memory_space<hbm>>, %arg6: memref<640x128xf32, #tpu.memory_space<hbm>>, %arg7: memref<2x10240x128xf32, #tpu.memory_space<hbm>>, %arg8: memref<2x384x128xf32, #tpu.memory_space<hbm>>, %arg9: memref<80xi32, #tpu.memory_space<vmem>>, %arg10: memref<80xi32, #tpu.memory_space<vmem>>, %arg11: memref<80xi32, #tpu.memory_space<vmem>>, %arg12: memref<80xi32, #tpu.memory_space<vmem>>, %arg13: memref<80x256xf32, #tpu.memory_space<vmem>>, %arg14: memref<80x128xf32, #tpu.memory_space<vmem>>, %arg15: memref<640xf32, #tpu.memory_space<vmem>>, %arg16: memref<80x128xf32, #tpu.memory_space<vmem>>, %arg17: memref<10240x128xf32, #tpu.memory_space<vmem_shared>>, %arg18: memref<384x128xf32, #tpu.memory_space<vmem_shared>>, %arg19: memref<!tpu.dma_semaphore, #tpu.memory_space<semaphore_mem>>, %arg20: memref<!tpu.dma_semaphore, #tpu.memory_space<semaphore_mem>>, %arg21: memref<!tpu.dma_semaphore, #tpu.memory_space<semaphore_mem>>, %arg22: memref<!tpu.dma_semaphore, #tpu.memory_space<semaphore_mem>>) attributes {dimension_semantics = [#tpu.dimension_semantics<core_parallel>, #tpu.dimension_semantics<subcore_parallel>], iteration_bounds = array<i64: 2, 16>, scalar_prefetch = 0 : i64, scratch_operands = 14 : i64, tpu.core_type = #tpu.core_type<sc_vector_subcore>, window_params = [{transform_indices = #map}, {transform_indices = #map}, {transform_indices = #map1}, {transform_indices = #map1}, {transform_indices = #map1}, {transform_indices = #map2}, {transform_indices = #map2}]} {
    %mul3A = arith.constant 2 : i32
    %mul3A_0 = arith.muli %arg1, %mul3A : i32
    %add3A = arith.addi %mul3A_0, %arg0 : i32
    %mul3A_1 = arith.constant 640 : i32
    %mul3A_2 = arith.muli %arg1, %mul3A_1 : i32
    "tpu.region"() ({
      %run_scoped3A = tpu.sem_alloc : memref<!tpu.dma_semaphore, #tpu.memory_space<semaphore_mem>>
      %dma_start3A = arith.constant 0 : i32
      %dma_start3A_25 = tpu.memref_slice %arg17[%mul3A_2, %dma_start3A] : memref<10240x128xf32, #tpu.memory_space<vmem_shared>> -> memref<640x128xf32, #tpu.memory_space<vmem_shared>>
      tpu.enqueue_dma source(%arg6 : memref<640x128xf32, #tpu.memory_space<hbm>>) target(%dma_start3A_25 : memref<640x128xf32, #tpu.memory_space<vmem_shared>>) target_semaphore(%run_scoped3A : memref<!tpu.dma_semaphore, #tpu.memory_space<semaphore_mem>>)
      %dma_wait3A_26 = arith.constant 0 : i32
      %dma_wait3A_27 = tpu.memref_slice %arg17[%mul3A_2, %dma_wait3A_26] : memref<10240x128xf32, #tpu.memory_space<vmem_shared>> -> memref<640x128xf32, #tpu.memory_space<vmem_shared>>
      tpu.wait_dma2 semaphore(%run_scoped3A : memref<!tpu.dma_semaphore, #tpu.memory_space<semaphore_mem>>) src(%arg6 : memref<640x128xf32, #tpu.memory_space<hbm>>) dst(%dma_wait3A_27 : memref<640x128xf32, #tpu.memory_space<vmem_shared>>)
      tpu.yield
    }) : () -> ()
    %mul3A_3 = arith.constant 24 : i32
    %mul3A_4 = arith.muli %arg1, %mul3A_3 : i32
    "tpu.region"() ({
      %run_scoped3A = tpu.sem_alloc : memref<!tpu.dma_semaphore, #tpu.memory_space<semaphore_mem>>
      %dma_start3A = arith.constant 0 : i32
      %dma_start3A_25 = tpu.memref_slice %arg18[%mul3A_4, %dma_start3A] : memref<384x128xf32, #tpu.memory_space<vmem_shared>> -> memref<24x128xf32, #tpu.memory_space<vmem_shared>>
      %dma_start3A_26 = arith.constant 0 : i32
      %dma_start3A_27 = arith.constant 0 : i32
      %dma_start3A_28 = tpu.memref_slice %arg6[%dma_start3A_26, %dma_start3A_27] : memref<640x128xf32, #tpu.memory_space<hbm>> -> memref<24x128xf32, #tpu.memory_space<hbm>>
      tpu.enqueue_dma source(%dma_start3A_28 : memref<24x128xf32, #tpu.memory_space<hbm>>) target(%dma_start3A_25 : memref<24x128xf32, #tpu.memory_space<vmem_shared>>) target_semaphore(%run_scoped3A : memref<!tpu.dma_semaphore, #tpu.memory_space<semaphore_mem>>)
      %dma_wait3A_29 = arith.constant 0 : i32
      %dma_wait3A_30 = tpu.memref_slice %arg18[%mul3A_4, %dma_wait3A_29] : memref<384x128xf32, #tpu.memory_space<vmem_shared>> -> memref<24x128xf32, #tpu.memory_space<vmem_shared>>
      %dma_wait3A_31 = arith.constant 0 : i32
      %dma_wait3A_32 = arith.constant 0 : i32
      %dma_wait3A_33 = tpu.memref_slice %arg6[%dma_wait3A_31, %dma_wait3A_32] : memref<640x128xf32, #tpu.memory_space<hbm>> -> memref<24x128xf32, #tpu.memory_space<hbm>>
      tpu.wait_dma2 semaphore(%run_scoped3A : memref<!tpu.dma_semaphore, #tpu.memory_space<semaphore_mem>>) src(%dma_wait3A_33 : memref<24x128xf32, #tpu.memory_space<hbm>>) dst(%dma_wait3A_30 : memref<24x128xf32, #tpu.memory_space<vmem_shared>>)
      tpu.yield
    }) : () -> ()
    %barrier3A = arith.constant 0 : index
    tpu.barrier barrier_id(%barrier3A)
    %iota3A = tpu.iota {dimensions = array<i32: 0>} : vector<16xi32>
    %broadcast_in_dim3A = arith.constant 0.000000e+00 : f32
    %broadcast_in_dim3A_5 = vector.broadcast %broadcast_in_dim3A : f32 to vector<16xf32>
    %scan3A = arith.constant 0 : i32
    %scan3A_6 = arith.constant 0 : i32
    %scan3A_7 = arith.constant 125 : i32
    %scan3A_8 = arith.addi %scan3A_6, %scan3A_7 : i32
    %scan3A_9 = arith.constant 1 : i32
    scf.for %scan3A_25 = %scan3A_6 to %scan3A_8 step %scan3A_9  : i32 {
      %mul3A_26 = arith.constant 10000 : i32
      %mul3A_27 = arith.muli %add3A, %mul3A_26 : i32
      %mul3A_28 = arith.constant 80 : i32
      %mul3A_29 = arith.muli %scan3A_25, %mul3A_28 : i32
      %add3A_30 = arith.addi %mul3A_27, %mul3A_29 : i32
      "tpu.region"() ({
        %run_scoped3A = tpu.sem_alloc : memref<!tpu.dma_semaphore, #tpu.memory_space<semaphore_mem>>
        %dma_start3A_668 = tpu.memref_slice %arg2[%add3A_30] : memref<320000xi32, #tpu.memory_space<hbm>> -> memref<80xi32, #tpu.memory_space<hbm>>
        %dma_start3A_669 = tpu.memref_slice %arg2[%add3A_30] : memref<320000xi32, #tpu.memory_space<hbm>> -> memref<80xi32, #tpu.memory_space<hbm>>
        tpu.enqueue_dma source(%dma_start3A_669 : memref<80xi32, #tpu.memory_space<hbm>>) target(%arg9 : memref<80xi32, #tpu.memory_space<vmem>>) target_semaphore(%run_scoped3A : memref<!tpu.dma_semaphore, #tpu.memory_space<semaphore_mem>>)
        %dma_wait3A_670 = tpu.memref_slice %arg2[%add3A_30] : memref<320000xi32, #tpu.memory_space<hbm>> -> memref<80xi32, #tpu.memory_space<hbm>>
        %dma_wait3A_671 = tpu.memref_slice %arg2[%add3A_30] : memref<320000xi32, #tpu.memory_space<hbm>> -> memref<80xi32, #tpu.memory_space<hbm>>
        tpu.wait_dma2 semaphore(%run_scoped3A : memref<!tpu.dma_semaphore, #tpu.memory_space<semaphore_mem>>) src(%dma_wait3A_671 : memref<80xi32, #tpu.memory_space<hbm>>) dst(%arg9 : memref<80xi32, #tpu.memory_space<vmem>>)
        tpu.yield
      }) : () -> ()
      "tpu.region"() ({
        %run_scoped3A = tpu.sem_alloc : memref<!tpu.dma_semaphore, #tpu.memory_space<semaphore_mem>>
        %dma_start3A_668 = tpu.memref_slice %arg3[%add3A_30] : memref<320000xi32, #tpu.memory_space<hbm>> -> memref<80xi32, #tpu.memory_space<hbm>>
        %dma_start3A_669 = tpu.memref_slice %arg3[%add3A_30] : memref<320000xi32, #tpu.memory_space<hbm>> -> memref<80xi32, #tpu.memory_space<hbm>>
        tpu.enqueue_dma source(%dma_start3A_669 : memref<80xi32, #tpu.memory_space<hbm>>) target(%arg10 : memref<80xi32, #tpu.memory_space<vmem>>) target_semaphore(%run_scoped3A : memref<!tpu.dma_semaphore, #tpu.memory_space<semaphore_mem>>)
        %dma_wait3A_670 = tpu.memref_slice %arg3[%add3A_30] : memref<320000xi32, #tpu.memory_space<hbm>> -> memref<80xi32, #tpu.memory_space<hbm>>
        %dma_wait3A_671 = tpu.memref_slice %arg3[%add3A_30] : memref<320000xi32, #tpu.memory_space<hbm>> -> memref<80xi32, #tpu.memory_space<hbm>>
        tpu.wait_dma2 semaphore(%run_scoped3A : memref<!tpu.dma_semaphore, #tpu.memory_space<semaphore_mem>>) src(%dma_wait3A_671 : memref<80xi32, #tpu.memory_space<hbm>>) dst(%arg10 : memref<80xi32, #tpu.memory_space<vmem>>)
        tpu.yield
      }) : () -> ()
      %dma_start3A = arith.constant 0 : i32
      %dma_start3A_31 = arith.constant 0 : i32
      %dma_start3A_32 = tpu.memref_slice %arg4[%dma_start3A, %dma_start3A_31] : memref<10000x256xf32, #tpu.memory_space<hbm>> -> memref<10000x256xf32, #tpu.memory_space<hbm>>
      tpu.enqueue_indirect_dma source(%dma_start3A_32 : memref<10000x256xf32, #tpu.memory_space<hbm>>) target(%arg13 : memref<80x256xf32, #tpu.memory_space<vmem>>) offsets(%arg10 : memref<80xi32, #tpu.memory_space<vmem>>) semaphore(%arg19 : memref<!tpu.dma_semaphore, #tpu.memory_space<semaphore_mem>>)
      %gt3A = arith.constant 0 : i32
      %gt3A_33 = arith.cmpi sgt, %scan3A_25, %gt3A : i32
      %convert_element_type3A = arith.extui %gt3A_33 : i1 to i32
      %cond3A = arith.constant 0 : i32
      %cond3A_34 = arith.cmpi ne, %convert_element_type3A, %cond3A : i32
      scf.if %cond3A_34 {
        %dma_wait3A_668 = arith.constant 0 : i32
        %dma_wait3A_669 = arith.constant 0 : i32
        %dma_wait3A_670 = tpu.memref_slice %arg17[%dma_wait3A_668, %dma_wait3A_669] : memref<10240x128xf32, #tpu.memory_space<vmem_shared>> -> memref<10240x128xf32, #tpu.memory_space<vmem_shared>>
        tpu.wait_indirect_dma semaphore(%arg21 : memref<!tpu.dma_semaphore, #tpu.memory_space<semaphore_mem>>) src(%arg16 : memref<80x128xf32, #tpu.memory_space<vmem>>) dst(%dma_wait3A_670 : memref<10240x128xf32, #tpu.memory_space<vmem_shared>>)
        %dma_wait3A_671 = arith.constant 0 : i32
        %dma_wait3A_672 = arith.constant 0 : i32
        %dma_wait3A_673 = tpu.memref_slice %arg18[%dma_wait3A_671, %dma_wait3A_672] : memref<384x128xf32, #tpu.memory_space<vmem_shared>> -> memref<384x128xf32, #tpu.memory_space<vmem_shared>>
        tpu.wait_indirect_dma semaphore(%arg22 : memref<!tpu.dma_semaphore, #tpu.memory_space<semaphore_mem>>) src(%arg14 : memref<80x128xf32, #tpu.memory_space<vmem>>) dst(%dma_wait3A_673 : memref<384x128xf32, #tpu.memory_space<vmem_shared>>)
      } else {
      }
      %dma_start3A_35 = arith.constant 0 : i32
      %dma_start3A_36 = arith.constant 0 : i32
      %dma_start3A_37 = tpu.memref_slice %arg5[%dma_start3A_35, %dma_start3A_36] : memref<10000x128xf32, #tpu.memory_space<hbm>> -> memref<10000x128xf32, #tpu.memory_space<hbm>>
      tpu.enqueue_indirect_dma source(%dma_start3A_37 : memref<10000x128xf32, #tpu.memory_space<hbm>>) target(%arg16 : memref<80x128xf32, #tpu.memory_space<vmem>>) offsets(%arg9 : memref<80xi32, #tpu.memory_space<vmem>>) semaphore(%arg20 : memref<!tpu.dma_semaphore, #tpu.memory_space<semaphore_mem>>)
      %scan3A_38 = arith.constant 0 : i32
      %scan3A_39 = arith.constant 0 : i32
      %scan3A_40 = arith.constant 80 : i32
      %scan3A_41 = arith.addi %scan3A_39, %scan3A_40 : i32
      %scan3A_42 = arith.constant 1 : i32
      scf.for %scan3A_668 = %scan3A_39 to %scan3A_41 step %scan3A_42  : i32 {
        %swap3A_669 = arith.index_cast %scan3A_668 : i32 to index
        %swap3A_670 = arith.constant 0 : index
        %swap3A_671 = tpu.vector_load %arg14[%swap3A_669, %swap3A_670] {strides = array<i32>} : memref<80x128xf32, #tpu.memory_space<vmem>>, vector<16xf32>,
        tpu.vector_store %arg14[%swap3A_669, %swap3A_670], %broadcast_in_dim3A_5 {strides = array<i32>} : memref<80x128xf32, #tpu.memory_space<vmem>>, vector<16xf32>,
        %swap3A_672 = arith.index_cast %scan3A_668 : i32 to index
        %swap3A_673 = arith.constant 16 : index
        %swap3A_674 = tpu.vector_load %arg14[%swap3A_672, %swap3A_673] {strides = array<i32>} : memref<80x128xf32, #tpu.memory_space<vmem>>, vector<16xf32>,
        tpu.vector_store %arg14[%swap3A_672, %swap3A_673], %broadcast_in_dim3A_5 {strides = array<i32>} : memref<80x128xf32, #tpu.memory_space<vmem>>, vector<16xf32>,
        %swap3A_675 = arith.index_cast %scan3A_668 : i32 to index
        %swap3A_676 = arith.constant 32 : index
        %swap3A_677 = tpu.vector_load %arg14[%swap3A_675, %swap3A_676] {strides = array<i32>} : memref<80x128xf32, #tpu.memory_space<vmem>>, vector<16xf32>,
        tpu.vector_store %arg14[%swap3A_675, %swap3A_676], %broadcast_in_dim3A_5 {strides = array<i32>} : memref<80x128xf32, #tpu.memory_space<vmem>>, vector<16xf32>,
        %swap3A_678 = arith.index_cast %scan3A_668 : i32 to index
        %swap3A_679 = arith.constant 48 : index
        %swap3A_680 = tpu.vector_load %arg14[%swap3A_678, %swap3A_679] {strides = array<i32>} : memref<80x128xf32, #tpu.memory_space<vmem>>, vector<16xf32>,
        tpu.vector_store %arg14[%swap3A_678, %swap3A_679], %broadcast_in_dim3A_5 {strides = array<i32>} : memref<80x128xf32, #tpu.memory_space<vmem>>, vector<16xf32>,
        %swap3A_681 = arith.index_cast %scan3A_668 : i32 to index
        %swap3A_682 = arith.constant 64 : index
        %swap3A_683 = tpu.vector_load %arg14[%swap3A_681, %swap3A_682] {strides = array<i32>} : memref<80x128xf32, #tpu.memory_space<vmem>>, vector<16xf32>,
        tpu.vector_store %arg14[%swap3A_681, %swap3A_682], %broadcast_in_dim3A_5 {strides = array<i32>} : memref<80x128xf32, #tpu.memory_space<vmem>>, vector<16xf32>,
        %swap3A_684 = arith.index_cast %scan3A_668 : i32 to index
        %swap3A_685 = arith.constant 80 : index
        %swap3A_686 = tpu.vector_load %arg14[%swap3A_684, %swap3A_685] {strides = array<i32>} : memref<80x128xf32, #tpu.memory_space<vmem>>, vector<16xf32>,
        tpu.vector_store %arg14[%swap3A_684, %swap3A_685], %broadcast_in_dim3A_5 {strides = array<i32>} : memref<80x128xf32, #tpu.memory_space<vmem>>, vector<16xf32>,
        %swap3A_687 = arith.index_cast %scan3A_668 : i32 to index
        %swap3A_688 = arith.constant 96 : index
        %swap3A_689 = tpu.vector_load %arg14[%swap3A_687, %swap3A_688] {strides = array<i32>} : memref<80x128xf32, #tpu.memory_space<vmem>>, vector<16xf32>,
        tpu.vector_store %arg14[%swap3A_687, %swap3A_688], %broadcast_in_dim3A_5 {strides = array<i32>} : memref<80x128xf32, #tpu.memory_space<vmem>>, vector<16xf32>,
        %swap3A_690 = arith.index_cast %scan3A_668 : i32 to index
        %swap3A_691 = arith.constant 112 : index
        %swap3A_692 = tpu.vector_load %arg14[%swap3A_690, %swap3A_691] {strides = array<i32>} : memref<80x128xf32, #tpu.memory_space<vmem>>, vector<16xf32>,
        tpu.vector_store %arg14[%swap3A_690, %swap3A_691], %broadcast_in_dim3A_5 {strides = array<i32>} : memref<80x128xf32, #tpu.memory_space<vmem>>, vector<16xf32>,
      }
      %scan3A_43 = arith.constant 80 : i32
      %dma_wait3A_44 = arith.constant 0 : i32
      %dma_wait3A_45 = arith.constant 0 : i32
      %dma_wait3A_46 = tpu.memref_slice %arg4[%dma_wait3A_44, %dma_wait3A_45] : memref<10000x256xf32, #tpu.memory_space<hbm>> -> memref<10000x256xf32, #tpu.memory_space<hbm>>
      tpu.wait_indirect_dma semaphore(%arg19 : memref<!tpu.dma_semaphore, #tpu.memory_space<semaphore_mem>>) src(%dma_wait3A_46 : memref<10000x256xf32, #tpu.memory_space<hbm>>) dst(%arg13 : memref<80x256xf32, #tpu.memory_space<vmem>>)
      %dma_wait3A_47 = arith.constant 0 : i32
      %dma_wait3A_48 = arith.constant 0 : i32
      %dma_wait3A_49 = tpu.memref_slice %arg5[%dma_wait3A_47, %dma_wait3A_48] : memref<10000x128xf32, #tpu.memory_space<hbm>> -> memref<10000x128xf32, #tpu.memory_space<hbm>>
      tpu.wait_indirect_dma semaphore(%arg20 : memref<!tpu.dma_semaphore, #tpu.memory_space<semaphore_mem>>) src(%dma_wait3A_49 : memref<10000x128xf32, #tpu.memory_space<hbm>>) dst(%arg16 : memref<80x128xf32, #tpu.memory_space<vmem>>)
      %get3A = arith.constant 0 : index
      %get3A_50 = tpu.vector_load %arg9[%get3A] {strides = array<i32>} : memref<80xi32, #tpu.memory_space<vmem>>, vector<16xi32>,
      %get3A_51 = arith.constant 0 : index
      %get3A_52 = tpu.vector_load %arg10[%get3A_51] {strides = array<i32>} : memref<80xi32, #tpu.memory_space<vmem>>, vector<16xi32>,
      %ne3A = arith.cmpi ne, %get3A_50, %get3A_52 : vector<16xi32>
      %and3A = arith.constant 31 : i32
      %and3A_53 = vector.broadcast %and3A : i32 to vector<16xi32>
      %and3A_54 = arith.andi %get3A_50, %and3A_53 : vector<16xi32>
      %mul3A_55 = arith.constant 4 : i32
      %mul3A_56 = vector.broadcast %mul3A_55 : i32 to vector<16xi32>
      %mul3A_57 = arith.muli %and3A_54, %mul3A_56 : vector<16xi32>
      %add3A_58 = arith.constant 0 : i32
      %add3A_59 = vector.broadcast %add3A_58 : i32 to vector<16xi32>
      %add3A_60 = arith.addi %iota3A, %add3A_59 : vector<16xi32>
      %broadcast_in_dim3A_61 = arith.constant 0 : i32
      %broadcast_in_dim3A_62 = vector.broadcast %broadcast_in_dim3A_61 : i32 to vector<16xi32>
      %gather3A = tpu.vector_load_idx %arg16[%add3A_60, %broadcast_in_dim3A_62] : memref<80x128xf32, #tpu.memory_space<vmem>>[vector<16xi32>, vector<16xi32>], vector<16xf32>,
      %add3A_63 = arith.constant 128 : i32
      %add3A_64 = vector.broadcast %add3A_63 : i32 to vector<16xi32>
      %add3A_65 = arith.addi %broadcast_in_dim3A_62, %add3A_64 : vector<16xi32>
      %add3A_66 = arith.constant 4 : i32
      %add3A_67 = vector.broadcast %add3A_66 : i32 to vector<16xi32>
      %add3A_68 = arith.addi %add3A_65, %add3A_67 : vector<16xi32>
      %gather3A_69 = tpu.vector_load_idx %arg13[%add3A_60, %add3A_68] : memref<80x256xf32, #tpu.memory_space<vmem>>[vector<16xi32>, vector<16xi32>], vector<16xf32>,
      %add3A_70 = arith.addf %gather3A, %gather3A_69 : vector<16xf32>
      %ge3A = arith.constant 0.000000e+00 : f32
      %ge3A_71 = vector.broadcast %ge3A : f32 to vector<16xf32>
      %ge3A_72 = arith.cmpf oge, %add3A_70, %ge3A_71 : vector<16xf32>
      %mul3A_73 = arith.constant 2.000000e-01 : f32
      %mul3A_74 = vector.broadcast %mul3A_73 : f32 to vector<16xf32>
      %mul3A_75 = arith.mulf %mul3A_74, %add3A_70 : vector<16xf32>
      %select_n3A = arith.select %ge3A_72, %add3A_70, %mul3A_75 : vector<16xi1>, vector<16xf32>
      %exp3A = math.exp %select_n3A : vector<16xf32>
      %select_n3A_76 = arith.select %ne3A, %exp3A, %broadcast_in_dim3A_5 : vector<16xi1>, vector<16xf32>
      %swap3A = arith.constant 0 : index
      %swap3A_77 = tpu.vector_load %arg15[%swap3A] {strides = array<i32>} : memref<640xf32, #tpu.memory_space<vmem>>, vector<16xf32>,
      tpu.vector_store %arg15[%swap3A], %select_n3A_76 {strides = array<i32>} : memref<640xf32, #tpu.memory_space<vmem>>, vector<16xf32>,
      %add3A_78 = arith.constant 0 : i32
      %add3A_79 = vector.broadcast %add3A_78 : i32 to vector<16xi32>
      %add3A_80 = arith.addi %mul3A_57, %add3A_79 : vector<16xi32>
      tpu.vector_store_idx %arg14[%add3A_60, %add3A_80], %select_n3A_76 : memref<80x128xf32, #tpu.memory_space<vmem>>[vector<16xi32>, vector<16xi32>], vector<16xf32>,
      %broadcast_in_dim3A_81 = arith.constant 1 : i32
      %broadcast_in_dim3A_82 = vector.broadcast %broadcast_in_dim3A_81 : i32 to vector<16xi32>
      %gather3A_83 = tpu.vector_load_idx %arg16[%add3A_60, %broadcast_in_dim3A_82] : memref<80x128xf32, #tpu.memory_space<vmem>>[vector<16xi32>, vector<16xi32>], vector<16xf32>,
      %add3A_84 = arith.constant 128 : i32
      %add3A_85 = vector.broadcast %add3A_84 : i32 to vector<16xi32>
      %add3A_86 = arith.addi %broadcast_in_dim3A_82, %add3A_85 : vector<16xi32>
      %add3A_87 = arith.constant 4 : i32
      %add3A_88 = vector.broadcast %add3A_87 : i32 to vector<16xi32>
      %add3A_89 = arith.addi %add3A_86, %add3A_88 : vector<16xi32>
      %gather3A_90 = tpu.vector_load_idx %arg13[%add3A_60, %add3A_89] : memref<80x256xf32, #tpu.memory_space<vmem>>[vector<16xi32>, vector<16xi32>], vector<16xf32>,
      %add3A_91 = arith.addf %gather3A_83, %gather3A_90 : vector<16xf32>
      %ge3A_92 = arith.constant 0.000000e+00 : f32
      %ge3A_93 = vector.broadcast %ge3A_92 : f32 to vector<16xf32>
      %ge3A_94 = arith.cmpf oge, %add3A_91, %ge3A_93 : vector<16xf32>
      %mul3A_95 = arith.constant 2.000000e-01 : f32
      %mul3A_96 = vector.broadcast %mul3A_95 : f32 to vector<16xf32>
      %mul3A_97 = arith.mulf %mul3A_96, %add3A_91 : vector<16xf32>
      %select_n3A_98 = arith.select %ge3A_94, %add3A_91, %mul3A_97 : vector<16xi1>, vector<16xf32>
      %exp3A_99 = math.exp %select_n3A_98 : vector<16xf32>
      %select_n3A_100 = arith.select %ne3A, %exp3A_99, %broadcast_in_dim3A_5 : vector<16xi1>, vector<16xf32>
      %swap3A_101 = arith.constant 80 : index
      %swap3A_102 = tpu.vector_load %arg15[%swap3A_101] {strides = array<i32>} : memref<640xf32, #tpu.memory_space<vmem>>, vector<16xf32>,
      tpu.vector_store %arg15[%swap3A_101], %select_n3A_100 {strides = array<i32>} : memref<640xf32, #tpu.memory_space<vmem>>, vector<16xf32>,
      %add3A_103 = arith.constant 1 : i32
      %add3A_104 = vector.broadcast %add3A_103 : i32 to vector<16xi32>
      %add3A_105 = arith.addi %mul3A_57, %add3A_104 : vector<16xi32>
      tpu.vector_store_idx %arg14[%add3A_60, %add3A_105], %select_n3A_100 : memref<80x128xf32, #tpu.memory_space<vmem>>[vector<16xi32>, vector<16xi32>], vector<16xf32>,
      %broadcast_in_dim3A_106 = arith.constant 2 : i32
      %broadcast_in_dim3A_107 = vector.broadcast %broadcast_in_dim3A_106 : i32 to vector<16xi32>
      %gather3A_108 = tpu.vector_load_idx %arg16[%add3A_60, %broadcast_in_dim3A_107] : memref<80x128xf32, #tpu.memory_space<vmem>>[vector<16xi32>, vector<16xi32>], vector<16xf32>,
      %add3A_109 = arith.constant 128 : i32
      %add3A_110 = vector.broadcast %add3A_109 : i32 to vector<16xi32>
      %add3A_111 = arith.addi %broadcast_in_dim3A_107, %add3A_110 : vector<16xi32>
      %add3A_112 = arith.constant 4 : i32
      %add3A_113 = vector.broadcast %add3A_112 : i32 to vector<16xi32>
      %add3A_114 = arith.addi %add3A_111, %add3A_113 : vector<16xi32>
      %gather3A_115 = tpu.vector_load_idx %arg13[%add3A_60, %add3A_114] : memref<80x256xf32, #tpu.memory_space<vmem>>[vector<16xi32>, vector<16xi32>], vector<16xf32>,
      %add3A_116 = arith.addf %gather3A_108, %gather3A_115 : vector<16xf32>
      %ge3A_117 = arith.constant 0.000000e+00 : f32
      %ge3A_118 = vector.broadcast %ge3A_117 : f32 to vector<16xf32>
      %ge3A_119 = arith.cmpf oge, %add3A_116, %ge3A_118 : vector<16xf32>
      %mul3A_120 = arith.constant 2.000000e-01 : f32
      %mul3A_121 = vector.broadcast %mul3A_120 : f32 to vector<16xf32>
      %mul3A_122 = arith.mulf %mul3A_121, %add3A_116 : vector<16xf32>
      %select_n3A_123 = arith.select %ge3A_119, %add3A_116, %mul3A_122 : vector<16xi1>, vector<16xf32>
      %exp3A_124 = math.exp %select_n3A_123 : vector<16xf32>
      %select_n3A_125 = arith.select %ne3A, %exp3A_124, %broadcast_in_dim3A_5 : vector<16xi1>, vector<16xf32>
      %swap3A_126 = arith.constant 160 : index
      %swap3A_127 = tpu.vector_load %arg15[%swap3A_126] {strides = array<i32>} : memref<640xf32, #tpu.memory_space<vmem>>, vector<16xf32>,
      tpu.vector_store %arg15[%swap3A_126], %select_n3A_125 {strides = array<i32>} : memref<640xf32, #tpu.memory_space<vmem>>, vector<16xf32>,
      %add3A_128 = arith.constant 2 : i32
      %add3A_129 = vector.broadcast %add3A_128 : i32 to vector<16xi32>
      %add3A_130 = arith.addi %mul3A_57, %add3A_129 : vector<16xi32>
      tpu.vector_store_idx %arg14[%add3A_60, %add3A_130], %select_n3A_125 : memref<80x128xf32, #tpu.memory_space<vmem>>[vector<16xi32>, vector<16xi32>], vector<16xf32>,
      %broadcast_in_dim3A_131 = arith.constant 3 : i32
      %broadcast_in_dim3A_132 = vector.broadcast %broadcast_in_dim3A_131 : i32 to vector<16xi32>
      %gather3A_133 = tpu.vector_load_idx %arg16[%add3A_60, %broadcast_in_dim3A_132] : memref<80x128xf32, #tpu.memory_space<vmem>>[vector<16xi32>, vector<16xi32>], vector<16xf32>,
      %add3A_134 = arith.constant 128 : i32
      %add3A_135 = vector.broadcast %add3A_134 : i32 to vector<16xi32>
      %add3A_136 = arith.addi %broadcast_in_dim3A_132, %add3A_135 : vector<16xi32>
      %add3A_137 = arith.constant 4 : i32
      %add3A_138 = vector.broadcast %add3A_137 : i32 to vector<16xi32>
      %add3A_139 = arith.addi %add3A_136, %add3A_138 : vector<16xi32>
      %gather3A_140 = tpu.vector_load_idx %arg13[%add3A_60, %add3A_139] : memref<80x256xf32, #tpu.memory_space<vmem>>[vector<16xi32>, vector<16xi32>], vector<16xf32>,
      %add3A_141 = arith.addf %gather3A_133, %gather3A_140 : vector<16xf32>
      %ge3A_142 = arith.constant 0.000000e+00 : f32
      %ge3A_143 = vector.broadcast %ge3A_142 : f32 to vector<16xf32>
      %ge3A_144 = arith.cmpf oge, %add3A_141, %ge3A_143 : vector<16xf32>
      %mul3A_145 = arith.constant 2.000000e-01 : f32
      %mul3A_146 = vector.broadcast %mul3A_145 : f32 to vector<16xf32>
      %mul3A_147 = arith.mulf %mul3A_146, %add3A_141 : vector<16xf32>
      %select_n3A_148 = arith.select %ge3A_144, %add3A_141, %mul3A_147 : vector<16xi1>, vector<16xf32>
      %exp3A_149 = math.exp %select_n3A_148 : vector<16xf32>
      %select_n3A_150 = arith.select %ne3A, %exp3A_149, %broadcast_in_dim3A_5 : vector<16xi1>, vector<16xf32>
      %swap3A_151 = arith.constant 240 : index
      %swap3A_152 = tpu.vector_load %arg15[%swap3A_151] {strides = array<i32>} : memref<640xf32, #tpu.memory_space<vmem>>, vector<16xf32>,
      tpu.vector_store %arg15[%swap3A_151], %select_n3A_150 {strides = array<i32>} : memref<640xf32, #tpu.memory_space<vmem>>, vector<16xf32>,
      %add3A_153 = arith.constant 3 : i32
      %add3A_154 = vector.broadcast %add3A_153 : i32 to vector<16xi32>
      %add3A_155 = arith.addi %mul3A_57, %add3A_154 : vector<16xi32>
      tpu.vector_store_idx %arg14[%add3A_60, %add3A_155], %select_n3A_150 : memref<80x128xf32, #tpu.memory_space<vmem>>[vector<16xi32>, vector<16xi32>], vector<16xf32>,
      %shift_right_logical3A = arith.constant 5 : i32
      %shift_right_logical3A_156 = vector.broadcast %shift_right_logical3A : i32 to vector<16xi32>
      %shift_right_logical3A_157 = arith.shrui %get3A_50, %shift_right_logical3A_156 : vector<16xi32>
      %swap3A_158 = arith.constant 0 : index
      %swap3A_159 = tpu.vector_load %arg12[%swap3A_158] {strides = array<i32>} : memref<80xi32, #tpu.memory_space<vmem>>, vector<16xi32>,
      tpu.vector_store %arg12[%swap3A_158], %shift_right_logical3A_157 {strides = array<i32>} : memref<80xi32, #tpu.memory_space<vmem>>, vector<16xi32>,
      %get3A_160 = arith.constant 16 : index
      %get3A_161 = tpu.vector_load %arg9[%get3A_160] {strides = array<i32>} : memref<80xi32, #tpu.memory_space<vmem>>, vector<16xi32>,
      %get3A_162 = arith.constant 16 : index
      %get3A_163 = tpu.vector_load %arg10[%get3A_162] {strides = array<i32>} : memref<80xi32, #tpu.memory_space<vmem>>, vector<16xi32>,
      %ne3A_164 = arith.cmpi ne, %get3A_161, %get3A_163 : vector<16xi32>
      %and3A_165 = arith.constant 31 : i32
      %and3A_166 = vector.broadcast %and3A_165 : i32 to vector<16xi32>
      %and3A_167 = arith.andi %get3A_161, %and3A_166 : vector<16xi32>
      %mul3A_168 = arith.constant 4 : i32
      %mul3A_169 = vector.broadcast %mul3A_168 : i32 to vector<16xi32>
      %mul3A_170 = arith.muli %and3A_167, %mul3A_169 : vector<16xi32>
      %add3A_171 = arith.constant 16 : i32
      %add3A_172 = vector.broadcast %add3A_171 : i32 to vector<16xi32>
      %add3A_173 = arith.addi %iota3A, %add3A_172 : vector<16xi32>
      %broadcast_in_dim3A_174 = arith.constant 0 : i32
      %broadcast_in_dim3A_175 = vector.broadcast %broadcast_in_dim3A_174 : i32 to vector<16xi32>
      %gather3A_176 = tpu.vector_load_idx %arg16[%add3A_173, %broadcast_in_dim3A_175] : memref<80x128xf32, #tpu.memory_space<vmem>>[vector<16xi32>, vector<16xi32>], vector<16xf32>,
      %add3A_177 = arith.constant 128 : i32
      %add3A_178 = vector.broadcast %add3A_177 : i32 to vector<16xi32>
      %add3A_179 = arith.addi %broadcast_in_dim3A_175, %add3A_178 : vector<16xi32>
      %add3A_180 = arith.constant 4 : i32
      %add3A_181 = vector.broadcast %add3A_180 : i32 to vector<16xi32>
      %add3A_182 = arith.addi %add3A_179, %add3A_181 : vector<16xi32>
      %gather3A_183 = tpu.vector_load_idx %arg13[%add3A_173, %add3A_182] : memref<80x256xf32, #tpu.memory_space<vmem>>[vector<16xi32>, vector<16xi32>], vector<16xf32>,
      %add3A_184 = arith.addf %gather3A_176, %gather3A_183 : vector<16xf32>
      %ge3A_185 = arith.constant 0.000000e+00 : f32
      %ge3A_186 = vector.broadcast %ge3A_185 : f32 to vector<16xf32>
      %ge3A_187 = arith.cmpf oge, %add3A_184, %ge3A_186 : vector<16xf32>
      %mul3A_188 = arith.constant 2.000000e-01 : f32
      %mul3A_189 = vector.broadcast %mul3A_188 : f32 to vector<16xf32>
      %mul3A_190 = arith.mulf %mul3A_189, %add3A_184 : vector<16xf32>
      %select_n3A_191 = arith.select %ge3A_187, %add3A_184, %mul3A_190 : vector<16xi1>, vector<16xf32>
      %exp3A_192 = math.exp %select_n3A_191 : vector<16xf32>
      %select_n3A_193 = arith.select %ne3A_164, %exp3A_192, %broadcast_in_dim3A_5 : vector<16xi1>, vector<16xf32>
      %swap3A_194 = arith.constant 16 : index
      %swap3A_195 = tpu.vector_load %arg15[%swap3A_194] {strides = array<i32>} : memref<640xf32, #tpu.memory_space<vmem>>, vector<16xf32>,
      tpu.vector_store %arg15[%swap3A_194], %select_n3A_193 {strides = array<i32>} : memref<640xf32, #tpu.memory_space<vmem>>, vector<16xf32>,
      %add3A_196 = arith.constant 0 : i32
      %add3A_197 = vector.broadcast %add3A_196 : i32 to vector<16xi32>
      %add3A_198 = arith.addi %mul3A_170, %add3A_197 : vector<16xi32>
      tpu.vector_store_idx %arg14[%add3A_173, %add3A_198], %select_n3A_193 : memref<80x128xf32, #tpu.memory_space<vmem>>[vector<16xi32>, vector<16xi32>], vector<16xf32>,
      %broadcast_in_dim3A_199 = arith.constant 1 : i32
      %broadcast_in_dim3A_200 = vector.broadcast %broadcast_in_dim3A_199 : i32 to vector<16xi32>
      %gather3A_201 = tpu.vector_load_idx %arg16[%add3A_173, %broadcast_in_dim3A_200] : memref<80x128xf32, #tpu.memory_space<vmem>>[vector<16xi32>, vector<16xi32>], vector<16xf32>,
      %add3A_202 = arith.constant 128 : i32
      %add3A_203 = vector.broadcast %add3A_202 : i32 to vector<16xi32>
      %add3A_204 = arith.addi %broadcast_in_dim3A_200, %add3A_203 : vector<16xi32>
      %add3A_205 = arith.constant 4 : i32
      %add3A_206 = vector.broadcast %add3A_205 : i32 to vector<16xi32>
      %add3A_207 = arith.addi %add3A_204, %add3A_206 : vector<16xi32>
      %gather3A_208 = tpu.vector_load_idx %arg13[%add3A_173, %add3A_207] : memref<80x256xf32, #tpu.memory_space<vmem>>[vector<16xi32>, vector<16xi32>], vector<16xf32>,
      %add3A_209 = arith.addf %gather3A_201, %gather3A_208 : vector<16xf32>
      %ge3A_210 = arith.constant 0.000000e+00 : f32
      %ge3A_211 = vector.broadcast %ge3A_210 : f32 to vector<16xf32>
      %ge3A_212 = arith.cmpf oge, %add3A_209, %ge3A_211 : vector<16xf32>
      %mul3A_213 = arith.constant 2.000000e-01 : f32
      %mul3A_214 = vector.broadcast %mul3A_213 : f32 to vector<16xf32>
      %mul3A_215 = arith.mulf %mul3A_214, %add3A_209 : vector<16xf32>
      %select_n3A_216 = arith.select %ge3A_212, %add3A_209, %mul3A_215 : vector<16xi1>, vector<16xf32>
      %exp3A_217 = math.exp %select_n3A_216 : vector<16xf32>
      %select_n3A_218 = arith.select %ne3A_164, %exp3A_217, %broadcast_in_dim3A_5 : vector<16xi1>, vector<16xf32>
      %swap3A_219 = arith.constant 96 : index
      %swap3A_220 = tpu.vector_load %arg15[%swap3A_219] {strides = array<i32>} : memref<640xf32, #tpu.memory_space<vmem>>, vector<16xf32>,
      tpu.vector_store %arg15[%swap3A_219], %select_n3A_218 {strides = array<i32>} : memref<640xf32, #tpu.memory_space<vmem>>, vector<16xf32>,
      %add3A_221 = arith.constant 1 : i32
      %add3A_222 = vector.broadcast %add3A_221 : i32 to vector<16xi32>
      %add3A_223 = arith.addi %mul3A_170, %add3A_222 : vector<16xi32>
      tpu.vector_store_idx %arg14[%add3A_173, %add3A_223], %select_n3A_218 : memref<80x128xf32, #tpu.memory_space<vmem>>[vector<16xi32>, vector<16xi32>], vector<16xf32>,
      %broadcast_in_dim3A_224 = arith.constant 2 : i32
      %broadcast_in_dim3A_225 = vector.broadcast %broadcast_in_dim3A_224 : i32 to vector<16xi32>
      %gather3A_226 = tpu.vector_load_idx %arg16[%add3A_173, %broadcast_in_dim3A_225] : memref<80x128xf32, #tpu.memory_space<vmem>>[vector<16xi32>, vector<16xi32>], vector<16xf32>,
      %add3A_227 = arith.constant 128 : i32
      %add3A_228 = vector.broadcast %add3A_227 : i32 to vector<16xi32>
      %add3A_229 = arith.addi %broadcast_in_dim3A_225, %add3A_228 : vector<16xi32>
      %add3A_230 = arith.constant 4 : i32
      %add3A_231 = vector.broadcast %add3A_230 : i32 to vector<16xi32>
      %add3A_232 = arith.addi %add3A_229, %add3A_231 : vector<16xi32>
      %gather3A_233 = tpu.vector_load_idx %arg13[%add3A_173, %add3A_232] : memref<80x256xf32, #tpu.memory_space<vmem>>[vector<16xi32>, vector<16xi32>], vector<16xf32>,
      %add3A_234 = arith.addf %gather3A_226, %gather3A_233 : vector<16xf32>
      %ge3A_235 = arith.constant 0.000000e+00 : f32
      %ge3A_236 = vector.broadcast %ge3A_235 : f32 to vector<16xf32>
      %ge3A_237 = arith.cmpf oge, %add3A_234, %ge3A_236 : vector<16xf32>
      %mul3A_238 = arith.constant 2.000000e-01 : f32
      %mul3A_239 = vector.broadcast %mul3A_238 : f32 to vector<16xf32>
      %mul3A_240 = arith.mulf %mul3A_239, %add3A_234 : vector<16xf32>
      %select_n3A_241 = arith.select %ge3A_237, %add3A_234, %mul3A_240 : vector<16xi1>, vector<16xf32>
      %exp3A_242 = math.exp %select_n3A_241 : vector<16xf32>
      %select_n3A_243 = arith.select %ne3A_164, %exp3A_242, %broadcast_in_dim3A_5 : vector<16xi1>, vector<16xf32>
      %swap3A_244 = arith.constant 176 : index
      %swap3A_245 = tpu.vector_load %arg15[%swap3A_244] {strides = array<i32>} : memref<640xf32, #tpu.memory_space<vmem>>, vector<16xf32>,
      tpu.vector_store %arg15[%swap3A_244], %select_n3A_243 {strides = array<i32>} : memref<640xf32, #tpu.memory_space<vmem>>, vector<16xf32>,
      %add3A_246 = arith.constant 2 : i32
      %add3A_247 = vector.broadcast %add3A_246 : i32 to vector<16xi32>
      %add3A_248 = arith.addi %mul3A_170, %add3A_247 : vector<16xi32>
      tpu.vector_store_idx %arg14[%add3A_173, %add3A_248], %select_n3A_243 : memref<80x128xf32, #tpu.memory_space<vmem>>[vector<16xi32>, vector<16xi32>], vector<16xf32>,
      %broadcast_in_dim3A_249 = arith.constant 3 : i32
      %broadcast_in_dim3A_250 = vector.broadcast %broadcast_in_dim3A_249 : i32 to vector<16xi32>
      %gather3A_251 = tpu.vector_load_idx %arg16[%add3A_173, %broadcast_in_dim3A_250] : memref<80x128xf32, #tpu.memory_space<vmem>>[vector<16xi32>, vector<16xi32>], vector<16xf32>,
      %add3A_252 = arith.constant 128 : i32
      %add3A_253 = vector.broadcast %add3A_252 : i32 to vector<16xi32>
      %add3A_254 = arith.addi %broadcast_in_dim3A_250, %add3A_253 : vector<16xi32>
      %add3A_255 = arith.constant 4 : i32
      %add3A_256 = vector.broadcast %add3A_255 : i32 to vector<16xi32>
      %add3A_257 = arith.addi %add3A_254, %add3A_256 : vector<16xi32>
      %gather3A_258 = tpu.vector_load_idx %arg13[%add3A_173, %add3A_257] : memref<80x256xf32, #tpu.memory_space<vmem>>[vector<16xi32>, vector<16xi32>], vector<16xf32>,
      %add3A_259 = arith.addf %gather3A_251, %gather3A_258 : vector<16xf32>
      %ge3A_260 = arith.constant 0.000000e+00 : f32
      %ge3A_261 = vector.broadcast %ge3A_260 : f32 to vector<16xf32>
      %ge3A_262 = arith.cmpf oge, %add3A_259, %ge3A_261 : vector<16xf32>
      %mul3A_263 = arith.constant 2.000000e-01 : f32
      %mul3A_264 = vector.broadcast %mul3A_263 : f32 to vector<16xf32>
      %mul3A_265 = arith.mulf %mul3A_264, %add3A_259 : vector<16xf32>
      %select_n3A_266 = arith.select %ge3A_262, %add3A_259, %mul3A_265 : vector<16xi1>, vector<16xf32>
      %exp3A_267 = math.exp %select_n3A_266 : vector<16xf32>
      %select_n3A_268 = arith.select %ne3A_164, %exp3A_267, %broadcast_in_dim3A_5 : vector<16xi1>, vector<16xf32>
      %swap3A_269 = arith.constant 256 : index
      %swap3A_270 = tpu.vector_load %arg15[%swap3A_269] {strides = array<i32>} : memref<640xf32, #tpu.memory_space<vmem>>, vector<16xf32>,
      tpu.vector_store %arg15[%swap3A_269], %select_n3A_268 {strides = array<i32>} : memref<640xf32, #tpu.memory_space<vmem>>, vector<16xf32>,
      %add3A_271 = arith.constant 3 : i32
      %add3A_272 = vector.broadcast %add3A_271 : i32 to vector<16xi32>
      %add3A_273 = arith.addi %mul3A_170, %add3A_272 : vector<16xi32>
      tpu.vector_store_idx %arg14[%add3A_173, %add3A_273], %select_n3A_268 : memref<80x128xf32, #tpu.memory_space<vmem>>[vector<16xi32>, vector<16xi32>], vector<16xf32>,
      %shift_right_logical3A_274 = arith.constant 5 : i32
      %shift_right_logical3A_275 = vector.broadcast %shift_right_logical3A_274 : i32 to vector<16xi32>
      %shift_right_logical3A_276 = arith.shrui %get3A_161, %shift_right_logical3A_275 : vector<16xi32>
      %swap3A_277 = arith.constant 16 : index
      %swap3A_278 = tpu.vector_load %arg12[%swap3A_277] {strides = array<i32>} : memref<80xi32, #tpu.memory_space<vmem>>, vector<16xi32>,
      tpu.vector_store %arg12[%swap3A_277], %shift_right_logical3A_276 {strides = array<i32>} : memref<80xi32, #tpu.memory_space<vmem>>, vector<16xi32>,
      %get3A_279 = arith.constant 32 : index
      %get3A_280 = tpu.vector_load %arg9[%get3A_279] {strides = array<i32>} : memref<80xi32, #tpu.memory_space<vmem>>, vector<16xi32>,
      %get3A_281 = arith.constant 32 : index
      %get3A_282 = tpu.vector_load %arg10[%get3A_281] {strides = array<i32>} : memref<80xi32, #tpu.memory_space<vmem>>, vector<16xi32>,
      %ne3A_283 = arith.cmpi ne, %get3A_280, %get3A_282 : vector<16xi32>
      %and3A_284 = arith.constant 31 : i32
      %and3A_285 = vector.broadcast %and3A_284 : i32 to vector<16xi32>
      %and3A_286 = arith.andi %get3A_280, %and3A_285 : vector<16xi32>
      %mul3A_287 = arith.constant 4 : i32
      %mul3A_288 = vector.broadcast %mul3A_287 : i32 to vector<16xi32>
      %mul3A_289 = arith.muli %and3A_286, %mul3A_288 : vector<16xi32>
      %add3A_290 = arith.constant 32 : i32
      %add3A_291 = vector.broadcast %add3A_290 : i32 to vector<16xi32>
      %add3A_292 = arith.addi %iota3A, %add3A_291 : vector<16xi32>
      %broadcast_in_dim3A_293 = arith.constant 0 : i32
      %broadcast_in_dim3A_294 = vector.broadcast %broadcast_in_dim3A_293 : i32 to vector<16xi32>
      %gather3A_295 = tpu.vector_load_idx %arg16[%add3A_292, %broadcast_in_dim3A_294] : memref<80x128xf32, #tpu.memory_space<vmem>>[vector<16xi32>, vector<16xi32>], vector<16xf32>,
      %add3A_296 = arith.constant 128 : i32
      %add3A_297 = vector.broadcast %add3A_296 : i32 to vector<16xi32>
      %add3A_298 = arith.addi %broadcast_in_dim3A_294, %add3A_297 : vector<16xi32>
      %add3A_299 = arith.constant 4 : i32
      %add3A_300 = vector.broadcast %add3A_299 : i32 to vector<16xi32>
      %add3A_301 = arith.addi %add3A_298, %add3A_300 : vector<16xi32>
      %gather3A_302 = tpu.vector_load_idx %arg13[%add3A_292, %add3A_301] : memref<80x256xf32, #tpu.memory_space<vmem>>[vector<16xi32>, vector<16xi32>], vector<16xf32>,
      %add3A_303 = arith.addf %gather3A_295, %gather3A_302 : vector<16xf32>
      %ge3A_304 = arith.constant 0.000000e+00 : f32
      %ge3A_305 = vector.broadcast %ge3A_304 : f32 to vector<16xf32>
      %ge3A_306 = arith.cmpf oge, %add3A_303, %ge3A_305 : vector<16xf32>
      %mul3A_307 = arith.constant 2.000000e-01 : f32
      %mul3A_308 = vector.broadcast %mul3A_307 : f32 to vector<16xf32>
      %mul3A_309 = arith.mulf %mul3A_308, %add3A_303 : vector<16xf32>
      %select_n3A_310 = arith.select %ge3A_306, %add3A_303, %mul3A_309 : vector<16xi1>, vector<16xf32>
      %exp3A_311 = math.exp %select_n3A_310 : vector<16xf32>
      %select_n3A_312 = arith.select %ne3A_283, %exp3A_311, %broadcast_in_dim3A_5 : vector<16xi1>, vector<16xf32>
      %swap3A_313 = arith.constant 32 : index
      %swap3A_314 = tpu.vector_load %arg15[%swap3A_313] {strides = array<i32>} : memref<640xf32, #tpu.memory_space<vmem>>, vector<16xf32>,
      tpu.vector_store %arg15[%swap3A_313], %select_n3A_312 {strides = array<i32>} : memref<640xf32, #tpu.memory_space<vmem>>, vector<16xf32>,
      %add3A_315 = arith.constant 0 : i32
      %add3A_316 = vector.broadcast %add3A_315 : i32 to vector<16xi32>
      %add3A_317 = arith.addi %mul3A_289, %add3A_316 : vector<16xi32>
      tpu.vector_store_idx %arg14[%add3A_292, %add3A_317], %select_n3A_312 : memref<80x128xf32, #tpu.memory_space<vmem>>[vector<16xi32>, vector<16xi32>], vector<16xf32>,
      %broadcast_in_dim3A_318 = arith.constant 1 : i32
      %broadcast_in_dim3A_319 = vector.broadcast %broadcast_in_dim3A_318 : i32 to vector<16xi32>
      %gather3A_320 = tpu.vector_load_idx %arg16[%add3A_292, %broadcast_in_dim3A_319] : memref<80x128xf32, #tpu.memory_space<vmem>>[vector<16xi32>, vector<16xi32>], vector<16xf32>,
      %add3A_321 = arith.constant 128 : i32
      %add3A_322 = vector.broadcast %add3A_321 : i32 to vector<16xi32>
      %add3A_323 = arith.addi %broadcast_in_dim3A_319, %add3A_322 : vector<16xi32>
      %add3A_324 = arith.constant 4 : i32
      %add3A_325 = vector.broadcast %add3A_324 : i32 to vector<16xi32>
      %add3A_326 = arith.addi %add3A_323, %add3A_325 : vector<16xi32>
      %gather3A_327 = tpu.vector_load_idx %arg13[%add3A_292, %add3A_326] : memref<80x256xf32, #tpu.memory_space<vmem>>[vector<16xi32>, vector<16xi32>], vector<16xf32>,
      %add3A_328 = arith.addf %gather3A_320, %gather3A_327 : vector<16xf32>
      %ge3A_329 = arith.constant 0.000000e+00 : f32
      %ge3A_330 = vector.broadcast %ge3A_329 : f32 to vector<16xf32>
      %ge3A_331 = arith.cmpf oge, %add3A_328, %ge3A_330 : vector<16xf32>
      %mul3A_332 = arith.constant 2.000000e-01 : f32
      %mul3A_333 = vector.broadcast %mul3A_332 : f32 to vector<16xf32>
      %mul3A_334 = arith.mulf %mul3A_333, %add3A_328 : vector<16xf32>
      %select_n3A_335 = arith.select %ge3A_331, %add3A_328, %mul3A_334 : vector<16xi1>, vector<16xf32>
      %exp3A_336 = math.exp %select_n3A_335 : vector<16xf32>
      %select_n3A_337 = arith.select %ne3A_283, %exp3A_336, %broadcast_in_dim3A_5 : vector<16xi1>, vector<16xf32>
      %swap3A_338 = arith.constant 112 : index
      %swap3A_339 = tpu.vector_load %arg15[%swap3A_338] {strides = array<i32>} : memref<640xf32, #tpu.memory_space<vmem>>, vector<16xf32>,
      tpu.vector_store %arg15[%swap3A_338], %select_n3A_337 {strides = array<i32>} : memref<640xf32, #tpu.memory_space<vmem>>, vector<16xf32>,
      %add3A_340 = arith.constant 1 : i32
      %add3A_341 = vector.broadcast %add3A_340 : i32 to vector<16xi32>
      %add3A_342 = arith.addi %mul3A_289, %add3A_341 : vector<16xi32>
      tpu.vector_store_idx %arg14[%add3A_292, %add3A_342], %select_n3A_337 : memref<80x128xf32, #tpu.memory_space<vmem>>[vector<16xi32>, vector<16xi32>], vector<16xf32>,
      %broadcast_in_dim3A_343 = arith.constant 2 : i32
      %broadcast_in_dim3A_344 = vector.broadcast %broadcast_in_dim3A_343 : i32 to vector<16xi32>
      %gather3A_345 = tpu.vector_load_idx %arg16[%add3A_292, %broadcast_in_dim3A_344] : memref<80x128xf32, #tpu.memory_space<vmem>>[vector<16xi32>, vector<16xi32>], vector<16xf32>,
      %add3A_346 = arith.constant 128 : i32
      %add3A_347 = vector.broadcast %add3A_346 : i32 to vector<16xi32>
      %add3A_348 = arith.addi %broadcast_in_dim3A_344, %add3A_347 : vector<16xi32>
      %add3A_349 = arith.constant 4 : i32
      %add3A_350 = vector.broadcast %add3A_349 : i32 to vector<16xi32>
      %add3A_351 = arith.addi %add3A_348, %add3A_350 : vector<16xi32>
      %gather3A_352 = tpu.vector_load_idx %arg13[%add3A_292, %add3A_351] : memref<80x256xf32, #tpu.memory_space<vmem>>[vector<16xi32>, vector<16xi32>], vector<16xf32>,
      %add3A_353 = arith.addf %gather3A_345, %gather3A_352 : vector<16xf32>
      %ge3A_354 = arith.constant 0.000000e+00 : f32
      %ge3A_355 = vector.broadcast %ge3A_354 : f32 to vector<16xf32>
      %ge3A_356 = arith.cmpf oge, %add3A_353, %ge3A_355 : vector<16xf32>
      %mul3A_357 = arith.constant 2.000000e-01 : f32
      %mul3A_358 = vector.broadcast %mul3A_357 : f32 to vector<16xf32>
      %mul3A_359 = arith.mulf %mul3A_358, %add3A_353 : vector<16xf32>
      %select_n3A_360 = arith.select %ge3A_356, %add3A_353, %mul3A_359 : vector<16xi1>, vector<16xf32>
      %exp3A_361 = math.exp %select_n3A_360 : vector<16xf32>
      %select_n3A_362 = arith.select %ne3A_283, %exp3A_361, %broadcast_in_dim3A_5 : vector<16xi1>, vector<16xf32>
      %swap3A_363 = arith.constant 192 : index
      %swap3A_364 = tpu.vector_load %arg15[%swap3A_363] {strides = array<i32>} : memref<640xf32, #tpu.memory_space<vmem>>, vector<16xf32>,
      tpu.vector_store %arg15[%swap3A_363], %select_n3A_362 {strides = array<i32>} : memref<640xf32, #tpu.memory_space<vmem>>, vector<16xf32>,
      %add3A_365 = arith.constant 2 : i32
      %add3A_366 = vector.broadcast %add3A_365 : i32 to vector<16xi32>
      %add3A_367 = arith.addi %mul3A_289, %add3A_366 : vector<16xi32>
      tpu.vector_store_idx %arg14[%add3A_292, %add3A_367], %select_n3A_362 : memref<80x128xf32, #tpu.memory_space<vmem>>[vector<16xi32>, vector<16xi32>], vector<16xf32>,
      %broadcast_in_dim3A_368 = arith.constant 3 : i32
      %broadcast_in_dim3A_369 = vector.broadcast %broadcast_in_dim3A_368 : i32 to vector<16xi32>
      %gather3A_370 = tpu.vector_load_idx %arg16[%add3A_292, %broadcast_in_dim3A_369] : memref<80x128xf32, #tpu.memory_space<vmem>>[vector<16xi32>, vector<16xi32>], vector<16xf32>,
      %add3A_371 = arith.constant 128 : i32
      %add3A_372 = vector.broadcast %add3A_371 : i32 to vector<16xi32>
      %add3A_373 = arith.addi %broadcast_in_dim3A_369, %add3A_372 : vector<16xi32>
      %add3A_374 = arith.constant 4 : i32
      %add3A_375 = vector.broadcast %add3A_374 : i32 to vector<16xi32>
      %add3A_376 = arith.addi %add3A_373, %add3A_375 : vector<16xi32>
      %gather3A_377 = tpu.vector_load_idx %arg13[%add3A_292, %add3A_376] : memref<80x256xf32, #tpu.memory_space<vmem>>[vector<16xi32>, vector<16xi32>], vector<16xf32>,
      %add3A_378 = arith.addf %gather3A_370, %gather3A_377 : vector<16xf32>
      %ge3A_379 = arith.constant 0.000000e+00 : f32
      %ge3A_380 = vector.broadcast %ge3A_379 : f32 to vector<16xf32>
      %ge3A_381 = arith.cmpf oge, %add3A_378, %ge3A_380 : vector<16xf32>
      %mul3A_382 = arith.constant 2.000000e-01 : f32
      %mul3A_383 = vector.broadcast %mul3A_382 : f32 to vector<16xf32>
      %mul3A_384 = arith.mulf %mul3A_383, %add3A_378 : vector<16xf32>
      %select_n3A_385 = arith.select %ge3A_381, %add3A_378, %mul3A_384 : vector<16xi1>, vector<16xf32>
      %exp3A_386 = math.exp %select_n3A_385 : vector<16xf32>
      %select_n3A_387 = arith.select %ne3A_283, %exp3A_386, %broadcast_in_dim3A_5 : vector<16xi1>, vector<16xf32>
      %swap3A_388 = arith.constant 272 : index
      %swap3A_389 = tpu.vector_load %arg15[%swap3A_388] {strides = array<i32>} : memref<640xf32, #tpu.memory_space<vmem>>, vector<16xf32>,
      tpu.vector_store %arg15[%swap3A_388], %select_n3A_387 {strides = array<i32>} : memref<640xf32, #tpu.memory_space<vmem>>, vector<16xf32>,
      %add3A_390 = arith.constant 3 : i32
      %add3A_391 = vector.broadcast %add3A_390 : i32 to vector<16xi32>
      %add3A_392 = arith.addi %mul3A_289, %add3A_391 : vector<16xi32>
      tpu.vector_store_idx %arg14[%add3A_292, %add3A_392], %select_n3A_387 : memref<80x128xf32, #tpu.memory_space<vmem>>[vector<16xi32>, vector<16xi32>], vector<16xf32>,
      %shift_right_logical3A_393 = arith.constant 5 : i32
      %shift_right_logical3A_394 = vector.broadcast %shift_right_logical3A_393 : i32 to vector<16xi32>
      %shift_right_logical3A_395 = arith.shrui %get3A_280, %shift_right_logical3A_394 : vector<16xi32>
      %swap3A_396 = arith.constant 32 : index
      %swap3A_397 = tpu.vector_load %arg12[%swap3A_396] {strides = array<i32>} : memref<80xi32, #tpu.memory_space<vmem>>, vector<16xi32>,
      tpu.vector_store %arg12[%swap3A_396], %shift_right_logical3A_395 {strides = array<i32>} : memref<80xi32, #tpu.memory_space<vmem>>, vector<16xi32>,
      %get3A_398 = arith.constant 48 : index
      %get3A_399 = tpu.vector_load %arg9[%get3A_398] {strides = array<i32>} : memref<80xi32, #tpu.memory_space<vmem>>, vector<16xi32>,
      %get3A_400 = arith.constant 48 : index
      %get3A_401 = tpu.vector_load %arg10[%get3A_400] {strides = array<i32>} : memref<80xi32, #tpu.memory_space<vmem>>, vector<16xi32>,
      %ne3A_402 = arith.cmpi ne, %get3A_399, %get3A_401 : vector<16xi32>
      %and3A_403 = arith.constant 31 : i32
      %and3A_404 = vector.broadcast %and3A_403 : i32 to vector<16xi32>
      %and3A_405 = arith.andi %get3A_399, %and3A_404 : vector<16xi32>
      %mul3A_406 = arith.constant 4 : i32
      %mul3A_407 = vector.broadcast %mul3A_406 : i32 to vector<16xi32>
      %mul3A_408 = arith.muli %and3A_405, %mul3A_407 : vector<16xi32>
      %add3A_409 = arith.constant 48 : i32
      %add3A_410 = vector.broadcast %add3A_409 : i32 to vector<16xi32>
      %add3A_411 = arith.addi %iota3A, %add3A_410 : vector<16xi32>
      %broadcast_in_dim3A_412 = arith.constant 0 : i32
      %broadcast_in_dim3A_413 = vector.broadcast %broadcast_in_dim3A_412 : i32 to vector<16xi32>
      %gather3A_414 = tpu.vector_load_idx %arg16[%add3A_411, %broadcast_in_dim3A_413] : memref<80x128xf32, #tpu.memory_space<vmem>>[vector<16xi32>, vector<16xi32>], vector<16xf32>,
      %add3A_415 = arith.constant 128 : i32
      %add3A_416 = vector.broadcast %add3A_415 : i32 to vector<16xi32>
      %add3A_417 = arith.addi %broadcast_in_dim3A_413, %add3A_416 : vector<16xi32>
      %add3A_418 = arith.constant 4 : i32
      %add3A_419 = vector.broadcast %add3A_418 : i32 to vector<16xi32>
      %add3A_420 = arith.addi %add3A_417, %add3A_419 : vector<16xi32>
      %gather3A_421 = tpu.vector_load_idx %arg13[%add3A_411, %add3A_420] : memref<80x256xf32, #tpu.memory_space<vmem>>[vector<16xi32>, vector<16xi32>], vector<16xf32>,
      %add3A_422 = arith.addf %gather3A_414, %gather3A_421 : vector<16xf32>
      %ge3A_423 = arith.constant 0.000000e+00 : f32
      %ge3A_424 = vector.broadcast %ge3A_423 : f32 to vector<16xf32>
      %ge3A_425 = arith.cmpf oge, %add3A_422, %ge3A_424 : vector<16xf32>
      %mul3A_426 = arith.constant 2.000000e-01 : f32
      %mul3A_427 = vector.broadcast %mul3A_426 : f32 to vector<16xf32>
      %mul3A_428 = arith.mulf %mul3A_427, %add3A_422 : vector<16xf32>
      %select_n3A_429 = arith.select %ge3A_425, %add3A_422, %mul3A_428 : vector<16xi1>, vector<16xf32>
      %exp3A_430 = math.exp %select_n3A_429 : vector<16xf32>
      %select_n3A_431 = arith.select %ne3A_402, %exp3A_430, %broadcast_in_dim3A_5 : vector<16xi1>, vector<16xf32>
      %swap3A_432 = arith.constant 48 : index
      %swap3A_433 = tpu.vector_load %arg15[%swap3A_432] {strides = array<i32>} : memref<640xf32, #tpu.memory_space<vmem>>, vector<16xf32>,
      tpu.vector_store %arg15[%swap3A_432], %select_n3A_431 {strides = array<i32>} : memref<640xf32, #tpu.memory_space<vmem>>, vector<16xf32>,
      %add3A_434 = arith.constant 0 : i32
      %add3A_435 = vector.broadcast %add3A_434 : i32 to vector<16xi32>
      %add3A_436 = arith.addi %mul3A_408, %add3A_435 : vector<16xi32>
      tpu.vector_store_idx %arg14[%add3A_411, %add3A_436], %select_n3A_431 : memref<80x128xf32, #tpu.memory_space<vmem>>[vector<16xi32>, vector<16xi32>], vector<16xf32>,
      %broadcast_in_dim3A_437 = arith.constant 1 : i32
      %broadcast_in_dim3A_438 = vector.broadcast %broadcast_in_dim3A_437 : i32 to vector<16xi32>
      %gather3A_439 = tpu.vector_load_idx %arg16[%add3A_411, %broadcast_in_dim3A_438] : memref<80x128xf32, #tpu.memory_space<vmem>>[vector<16xi32>, vector<16xi32>], vector<16xf32>,
      %add3A_440 = arith.constant 128 : i32
      %add3A_441 = vector.broadcast %add3A_440 : i32 to vector<16xi32>
      %add3A_442 = arith.addi %broadcast_in_dim3A_438, %add3A_441 : vector<16xi32>
      %add3A_443 = arith.constant 4 : i32
      %add3A_444 = vector.broadcast %add3A_443 : i32 to vector<16xi32>
      %add3A_445 = arith.addi %add3A_442, %add3A_444 : vector<16xi32>
      %gather3A_446 = tpu.vector_load_idx %arg13[%add3A_411, %add3A_445] : memref<80x256xf32, #tpu.memory_space<vmem>>[vector<16xi32>, vector<16xi32>], vector<16xf32>,
      %add3A_447 = arith.addf %gather3A_439, %gather3A_446 : vector<16xf32>
      %ge3A_448 = arith.constant 0.000000e+00 : f32
      %ge3A_449 = vector.broadcast %ge3A_448 : f32 to vector<16xf32>
      %ge3A_450 = arith.cmpf oge, %add3A_447, %ge3A_449 : vector<16xf32>
      %mul3A_451 = arith.constant 2.000000e-01 : f32
      %mul3A_452 = vector.broadcast %mul3A_451 : f32 to vector<16xf32>
      %mul3A_453 = arith.mulf %mul3A_452, %add3A_447 : vector<16xf32>
      %select_n3A_454 = arith.select %ge3A_450, %add3A_447, %mul3A_453 : vector<16xi1>, vector<16xf32>
      %exp3A_455 = math.exp %select_n3A_454 : vector<16xf32>
      %select_n3A_456 = arith.select %ne3A_402, %exp3A_455, %broadcast_in_dim3A_5 : vector<16xi1>, vector<16xf32>
      %swap3A_457 = arith.constant 128 : index
      %swap3A_458 = tpu.vector_load %arg15[%swap3A_457] {strides = array<i32>} : memref<640xf32, #tpu.memory_space<vmem>>, vector<16xf32>,
      tpu.vector_store %arg15[%swap3A_457], %select_n3A_456 {strides = array<i32>} : memref<640xf32, #tpu.memory_space<vmem>>, vector<16xf32>,
      %add3A_459 = arith.constant 1 : i32
      %add3A_460 = vector.broadcast %add3A_459 : i32 to vector<16xi32>
      %add3A_461 = arith.addi %mul3A_408, %add3A_460 : vector<16xi32>
      tpu.vector_store_idx %arg14[%add3A_411, %add3A_461], %select_n3A_456 : memref<80x128xf32, #tpu.memory_space<vmem>>[vector<16xi32>, vector<16xi32>], vector<16xf32>,
      %broadcast_in_dim3A_462 = arith.constant 2 : i32
      %broadcast_in_dim3A_463 = vector.broadcast %broadcast_in_dim3A_462 : i32 to vector<16xi32>
      %gather3A_464 = tpu.vector_load_idx %arg16[%add3A_411, %broadcast_in_dim3A_463] : memref<80x128xf32, #tpu.memory_space<vmem>>[vector<16xi32>, vector<16xi32>], vector<16xf32>,
      %add3A_465 = arith.constant 128 : i32
      %add3A_466 = vector.broadcast %add3A_465 : i32 to vector<16xi32>
      %add3A_467 = arith.addi %broadcast_in_dim3A_463, %add3A_466 : vector<16xi32>
      %add3A_468 = arith.constant 4 : i32
      %add3A_469 = vector.broadcast %add3A_468 : i32 to vector<16xi32>
      %add3A_470 = arith.addi %add3A_467, %add3A_469 : vector<16xi32>
      %gather3A_471 = tpu.vector_load_idx %arg13[%add3A_411, %add3A_470] : memref<80x256xf32, #tpu.memory_space<vmem>>[vector<16xi32>, vector<16xi32>], vector<16xf32>,
      %add3A_472 = arith.addf %gather3A_464, %gather3A_471 : vector<16xf32>
      %ge3A_473 = arith.constant 0.000000e+00 : f32
      %ge3A_474 = vector.broadcast %ge3A_473 : f32 to vector<16xf32>
      %ge3A_475 = arith.cmpf oge, %add3A_472, %ge3A_474 : vector<16xf32>
      %mul3A_476 = arith.constant 2.000000e-01 : f32
      %mul3A_477 = vector.broadcast %mul3A_476 : f32 to vector<16xf32>
      %mul3A_478 = arith.mulf %mul3A_477, %add3A_472 : vector<16xf32>
      %select_n3A_479 = arith.select %ge3A_475, %add3A_472, %mul3A_478 : vector<16xi1>, vector<16xf32>
      %exp3A_480 = math.exp %select_n3A_479 : vector<16xf32>
      %select_n3A_481 = arith.select %ne3A_402, %exp3A_480, %broadcast_in_dim3A_5 : vector<16xi1>, vector<16xf32>
      %swap3A_482 = arith.constant 208 : index
      %swap3A_483 = tpu.vector_load %arg15[%swap3A_482] {strides = array<i32>} : memref<640xf32, #tpu.memory_space<vmem>>, vector<16xf32>,
      tpu.vector_store %arg15[%swap3A_482], %select_n3A_481 {strides = array<i32>} : memref<640xf32, #tpu.memory_space<vmem>>, vector<16xf32>,
      %add3A_484 = arith.constant 2 : i32
      %add3A_485 = vector.broadcast %add3A_484 : i32 to vector<16xi32>
      %add3A_486 = arith.addi %mul3A_408, %add3A_485 : vector<16xi32>
      tpu.vector_store_idx %arg14[%add3A_411, %add3A_486], %select_n3A_481 : memref<80x128xf32, #tpu.memory_space<vmem>>[vector<16xi32>, vector<16xi32>], vector<16xf32>,
      %broadcast_in_dim3A_487 = arith.constant 3 : i32
      %broadcast_in_dim3A_488 = vector.broadcast %broadcast_in_dim3A_487 : i32 to vector<16xi32>
      %gather3A_489 = tpu.vector_load_idx %arg16[%add3A_411, %broadcast_in_dim3A_488] : memref<80x128xf32, #tpu.memory_space<vmem>>[vector<16xi32>, vector<16xi32>], vector<16xf32>,
      %add3A_490 = arith.constant 128 : i32
      %add3A_491 = vector.broadcast %add3A_490 : i32 to vector<16xi32>
      %add3A_492 = arith.addi %broadcast_in_dim3A_488, %add3A_491 : vector<16xi32>
      %add3A_493 = arith.constant 4 : i32
      %add3A_494 = vector.broadcast %add3A_493 : i32 to vector<16xi32>
      %add3A_495 = arith.addi %add3A_492, %add3A_494 : vector<16xi32>
      %gather3A_496 = tpu.vector_load_idx %arg13[%add3A_411, %add3A_495] : memref<80x256xf32, #tpu.memory_space<vmem>>[vector<16xi32>, vector<16xi32>], vector<16xf32>,
      %add3A_497 = arith.addf %gather3A_489, %gather3A_496 : vector<16xf32>
      %ge3A_498 = arith.constant 0.000000e+00 : f32
      %ge3A_499 = vector.broadcast %ge3A_498 : f32 to vector<16xf32>
      %ge3A_500 = arith.cmpf oge, %add3A_497, %ge3A_499 : vector<16xf32>
      %mul3A_501 = arith.constant 2.000000e-01 : f32
      %mul3A_502 = vector.broadcast %mul3A_501 : f32 to vector<16xf32>
      %mul3A_503 = arith.mulf %mul3A_502, %add3A_497 : vector<16xf32>
      %select_n3A_504 = arith.select %ge3A_500, %add3A_497, %mul3A_503 : vector<16xi1>, vector<16xf32>
      %exp3A_505 = math.exp %select_n3A_504 : vector<16xf32>
      %select_n3A_506 = arith.select %ne3A_402, %exp3A_505, %broadcast_in_dim3A_5 : vector<16xi1>, vector<16xf32>
      %swap3A_507 = arith.constant 288 : index
      %swap3A_508 = tpu.vector_load %arg15[%swap3A_507] {strides = array<i32>} : memref<640xf32, #tpu.memory_space<vmem>>, vector<16xf32>,
      tpu.vector_store %arg15[%swap3A_507], %select_n3A_506 {strides = array<i32>} : memref<640xf32, #tpu.memory_space<vmem>>, vector<16xf32>,
      %add3A_509 = arith.constant 3 : i32
      %add3A_510 = vector.broadcast %add3A_509 : i32 to vector<16xi32>
      %add3A_511 = arith.addi %mul3A_408, %add3A_510 : vector<16xi32>
      tpu.vector_store_idx %arg14[%add3A_411, %add3A_511], %select_n3A_506 : memref<80x128xf32, #tpu.memory_space<vmem>>[vector<16xi32>, vector<16xi32>], vector<16xf32>,
      %shift_right_logical3A_512 = arith.constant 5 : i32
      %shift_right_logical3A_513 = vector.broadcast %shift_right_logical3A_512 : i32 to vector<16xi32>
      %shift_right_logical3A_514 = arith.shrui %get3A_399, %shift_right_logical3A_513 : vector<16xi32>
      %swap3A_515 = arith.constant 48 : index
      %swap3A_516 = tpu.vector_load %arg12[%swap3A_515] {strides = array<i32>} : memref<80xi32, #tpu.memory_space<vmem>>, vector<16xi32>,
      tpu.vector_store %arg12[%swap3A_515], %shift_right_logical3A_514 {strides = array<i32>} : memref<80xi32, #tpu.memory_space<vmem>>, vector<16xi32>,
      %get3A_517 = arith.constant 64 : index
      %get3A_518 = tpu.vector_load %arg9[%get3A_517] {strides = array<i32>} : memref<80xi32, #tpu.memory_space<vmem>>, vector<16xi32>,
      %get3A_519 = arith.constant 64 : index
      %get3A_520 = tpu.vector_load %arg10[%get3A_519] {strides = array<i32>} : memref<80xi32, #tpu.memory_space<vmem>>, vector<16xi32>,
      %ne3A_521 = arith.cmpi ne, %get3A_518, %get3A_520 : vector<16xi32>
      %and3A_522 = arith.constant 31 : i32
      %and3A_523 = vector.broadcast %and3A_522 : i32 to vector<16xi32>
      %and3A_524 = arith.andi %get3A_518, %and3A_523 : vector<16xi32>
      %mul3A_525 = arith.constant 4 : i32
      %mul3A_526 = vector.broadcast %mul3A_525 : i32 to vector<16xi32>
      %mul3A_527 = arith.muli %and3A_524, %mul3A_526 : vector<16xi32>
      %add3A_528 = arith.constant 64 : i32
      %add3A_529 = vector.broadcast %add3A_528 : i32 to vector<16xi32>
      %add3A_530 = arith.addi %iota3A, %add3A_529 : vector<16xi32>
      %broadcast_in_dim3A_531 = arith.constant 0 : i32
      %broadcast_in_dim3A_532 = vector.broadcast %broadcast_in_dim3A_531 : i32 to vector<16xi32>
      %gather3A_533 = tpu.vector_load_idx %arg16[%add3A_530, %broadcast_in_dim3A_532] : memref<80x128xf32, #tpu.memory_space<vmem>>[vector<16xi32>, vector<16xi32>], vector<16xf32>,
      %add3A_534 = arith.constant 128 : i32
      %add3A_535 = vector.broadcast %add3A_534 : i32 to vector<16xi32>
      %add3A_536 = arith.addi %broadcast_in_dim3A_532, %add3A_535 : vector<16xi32>
      %add3A_537 = arith.constant 4 : i32
      %add3A_538 = vector.broadcast %add3A_537 : i32 to vector<16xi32>
      %add3A_539 = arith.addi %add3A_536, %add3A_538 : vector<16xi32>
      %gather3A_540 = tpu.vector_load_idx %arg13[%add3A_530, %add3A_539] : memref<80x256xf32, #tpu.memory_space<vmem>>[vector<16xi32>, vector<16xi32>], vector<16xf32>,
      %add3A_541 = arith.addf %gather3A_533, %gather3A_540 : vector<16xf32>
      %ge3A_542 = arith.constant 0.000000e+00 : f32
      %ge3A_543 = vector.broadcast %ge3A_542 : f32 to vector<16xf32>
      %ge3A_544 = arith.cmpf oge, %add3A_541, %ge3A_543 : vector<16xf32>
      %mul3A_545 = arith.constant 2.000000e-01 : f32
      %mul3A_546 = vector.broadcast %mul3A_545 : f32 to vector<16xf32>
      %mul3A_547 = arith.mulf %mul3A_546, %add3A_541 : vector<16xf32>
      %select_n3A_548 = arith.select %ge3A_544, %add3A_541, %mul3A_547 : vector<16xi1>, vector<16xf32>
      %exp3A_549 = math.exp %select_n3A_548 : vector<16xf32>
      %select_n3A_550 = arith.select %ne3A_521, %exp3A_549, %broadcast_in_dim3A_5 : vector<16xi1>, vector<16xf32>
      %swap3A_551 = arith.constant 64 : index
      %swap3A_552 = tpu.vector_load %arg15[%swap3A_551] {strides = array<i32>} : memref<640xf32, #tpu.memory_space<vmem>>, vector<16xf32>,
      tpu.vector_store %arg15[%swap3A_551], %select_n3A_550 {strides = array<i32>} : memref<640xf32, #tpu.memory_space<vmem>>, vector<16xf32>,
      %add3A_553 = arith.constant 0 : i32
      %add3A_554 = vector.broadcast %add3A_553 : i32 to vector<16xi32>
      %add3A_555 = arith.addi %mul3A_527, %add3A_554 : vector<16xi32>
      tpu.vector_store_idx %arg14[%add3A_530, %add3A_555], %select_n3A_550 : memref<80x128xf32, #tpu.memory_space<vmem>>[vector<16xi32>, vector<16xi32>], vector<16xf32>,
      %broadcast_in_dim3A_556 = arith.constant 1 : i32
      %broadcast_in_dim3A_557 = vector.broadcast %broadcast_in_dim3A_556 : i32 to vector<16xi32>
      %gather3A_558 = tpu.vector_load_idx %arg16[%add3A_530, %broadcast_in_dim3A_557] : memref<80x128xf32, #tpu.memory_space<vmem>>[vector<16xi32>, vector<16xi32>], vector<16xf32>,
      %add3A_559 = arith.constant 128 : i32
      %add3A_560 = vector.broadcast %add3A_559 : i32 to vector<16xi32>
      %add3A_561 = arith.addi %broadcast_in_dim3A_557, %add3A_560 : vector<16xi32>
      %add3A_562 = arith.constant 4 : i32
      %add3A_563 = vector.broadcast %add3A_562 : i32 to vector<16xi32>
      %add3A_564 = arith.addi %add3A_561, %add3A_563 : vector<16xi32>
      %gather3A_565 = tpu.vector_load_idx %arg13[%add3A_530, %add3A_564] : memref<80x256xf32, #tpu.memory_space<vmem>>[vector<16xi32>, vector<16xi32>], vector<16xf32>,
      %add3A_566 = arith.addf %gather3A_558, %gather3A_565 : vector<16xf32>
      %ge3A_567 = arith.constant 0.000000e+00 : f32
      %ge3A_568 = vector.broadcast %ge3A_567 : f32 to vector<16xf32>
      %ge3A_569 = arith.cmpf oge, %add3A_566, %ge3A_568 : vector<16xf32>
      %mul3A_570 = arith.constant 2.000000e-01 : f32
      %mul3A_571 = vector.broadcast %mul3A_570 : f32 to vector<16xf32>
      %mul3A_572 = arith.mulf %mul3A_571, %add3A_566 : vector<16xf32>
      %select_n3A_573 = arith.select %ge3A_569, %add3A_566, %mul3A_572 : vector<16xi1>, vector<16xf32>
      %exp3A_574 = math.exp %select_n3A_573 : vector<16xf32>
      %select_n3A_575 = arith.select %ne3A_521, %exp3A_574, %broadcast_in_dim3A_5 : vector<16xi1>, vector<16xf32>
      %swap3A_576 = arith.constant 144 : index
      %swap3A_577 = tpu.vector_load %arg15[%swap3A_576] {strides = array<i32>} : memref<640xf32, #tpu.memory_space<vmem>>, vector<16xf32>,
      tpu.vector_store %arg15[%swap3A_576], %select_n3A_575 {strides = array<i32>} : memref<640xf32, #tpu.memory_space<vmem>>, vector<16xf32>,
      %add3A_578 = arith.constant 1 : i32
      %add3A_579 = vector.broadcast %add3A_578 : i32 to vector<16xi32>
      %add3A_580 = arith.addi %mul3A_527, %add3A_579 : vector<16xi32>
      tpu.vector_store_idx %arg14[%add3A_530, %add3A_580], %select_n3A_575 : memref<80x128xf32, #tpu.memory_space<vmem>>[vector<16xi32>, vector<16xi32>], vector<16xf32>,
      %broadcast_in_dim3A_581 = arith.constant 2 : i32
      %broadcast_in_dim3A_582 = vector.broadcast %broadcast_in_dim3A_581 : i32 to vector<16xi32>
      %gather3A_583 = tpu.vector_load_idx %arg16[%add3A_530, %broadcast_in_dim3A_582] : memref<80x128xf32, #tpu.memory_space<vmem>>[vector<16xi32>, vector<16xi32>], vector<16xf32>,
      %add3A_584 = arith.constant 128 : i32
      %add3A_585 = vector.broadcast %add3A_584 : i32 to vector<16xi32>
      %add3A_586 = arith.addi %broadcast_in_dim3A_582, %add3A_585 : vector<16xi32>
      %add3A_587 = arith.constant 4 : i32
      %add3A_588 = vector.broadcast %add3A_587 : i32 to vector<16xi32>
      %add3A_589 = arith.addi %add3A_586, %add3A_588 : vector<16xi32>
      %gather3A_590 = tpu.vector_load_idx %arg13[%add3A_530, %add3A_589] : memref<80x256xf32, #tpu.memory_space<vmem>>[vector<16xi32>, vector<16xi32>], vector<16xf32>,
      %add3A_591 = arith.addf %gather3A_583, %gather3A_590 : vector<16xf32>
      %ge3A_592 = arith.constant 0.000000e+00 : f32
      %ge3A_593 = vector.broadcast %ge3A_592 : f32 to vector<16xf32>
      %ge3A_594 = arith.cmpf oge, %add3A_591, %ge3A_593 : vector<16xf32>
      %mul3A_595 = arith.constant 2.000000e-01 : f32
      %mul3A_596 = vector.broadcast %mul3A_595 : f32 to vector<16xf32>
      %mul3A_597 = arith.mulf %mul3A_596, %add3A_591 : vector<16xf32>
      %select_n3A_598 = arith.select %ge3A_594, %add3A_591, %mul3A_597 : vector<16xi1>, vector<16xf32>
      %exp3A_599 = math.exp %select_n3A_598 : vector<16xf32>
      %select_n3A_600 = arith.select %ne3A_521, %exp3A_599, %broadcast_in_dim3A_5 : vector<16xi1>, vector<16xf32>
      %swap3A_601 = arith.constant 224 : index
      %swap3A_602 = tpu.vector_load %arg15[%swap3A_601] {strides = array<i32>} : memref<640xf32, #tpu.memory_space<vmem>>, vector<16xf32>,
      tpu.vector_store %arg15[%swap3A_601], %select_n3A_600 {strides = array<i32>} : memref<640xf32, #tpu.memory_space<vmem>>, vector<16xf32>,
      %add3A_603 = arith.constant 2 : i32
      %add3A_604 = vector.broadcast %add3A_603 : i32 to vector<16xi32>
      %add3A_605 = arith.addi %mul3A_527, %add3A_604 : vector<16xi32>
      tpu.vector_store_idx %arg14[%add3A_530, %add3A_605], %select_n3A_600 : memref<80x128xf32, #tpu.memory_space<vmem>>[vector<16xi32>, vector<16xi32>], vector<16xf32>,
      %broadcast_in_dim3A_606 = arith.constant 3 : i32
      %broadcast_in_dim3A_607 = vector.broadcast %broadcast_in_dim3A_606 : i32 to vector<16xi32>
      %gather3A_608 = tpu.vector_load_idx %arg16[%add3A_530, %broadcast_in_dim3A_607] : memref<80x128xf32, #tpu.memory_space<vmem>>[vector<16xi32>, vector<16xi32>], vector<16xf32>,
      %add3A_609 = arith.constant 128 : i32
      %add3A_610 = vector.broadcast %add3A_609 : i32 to vector<16xi32>
      %add3A_611 = arith.addi %broadcast_in_dim3A_607, %add3A_610 : vector<16xi32>
      %add3A_612 = arith.constant 4 : i32
      %add3A_613 = vector.broadcast %add3A_612 : i32 to vector<16xi32>
      %add3A_614 = arith.addi %add3A_611, %add3A_613 : vector<16xi32>
      %gather3A_615 = tpu.vector_load_idx %arg13[%add3A_530, %add3A_614] : memref<80x256xf32, #tpu.memory_space<vmem>>[vector<16xi32>, vector<16xi32>], vector<16xf32>,
      %add3A_616 = arith.addf %gather3A_608, %gather3A_615 : vector<16xf32>
      %ge3A_617 = arith.constant 0.000000e+00 : f32
      %ge3A_618 = vector.broadcast %ge3A_617 : f32 to vector<16xf32>
      %ge3A_619 = arith.cmpf oge, %add3A_616, %ge3A_618 : vector<16xf32>
      %mul3A_620 = arith.constant 2.000000e-01 : f32
      %mul3A_621 = vector.broadcast %mul3A_620 : f32 to vector<16xf32>
      %mul3A_622 = arith.mulf %mul3A_621, %add3A_616 : vector<16xf32>
      %select_n3A_623 = arith.select %ge3A_619, %add3A_616, %mul3A_622 : vector<16xi1>, vector<16xf32>
      %exp3A_624 = math.exp %select_n3A_623 : vector<16xf32>
      %select_n3A_625 = arith.select %ne3A_521, %exp3A_624, %broadcast_in_dim3A_5 : vector<16xi1>, vector<16xf32>
      %swap3A_626 = arith.constant 304 : index
      %swap3A_627 = tpu.vector_load %arg15[%swap3A_626] {strides = array<i32>} : memref<640xf32, #tpu.memory_space<vmem>>, vector<16xf32>,
      tpu.vector_store %arg15[%swap3A_626], %select_n3A_625 {strides = array<i32>} : memref<640xf32, #tpu.memory_space<vmem>>, vector<16xf32>,
      %add3A_628 = arith.constant 3 : i32
      %add3A_629 = vector.broadcast %add3A_628 : i32 to vector<16xi32>
      %add3A_630 = arith.addi %mul3A_527, %add3A_629 : vector<16xi32>
      tpu.vector_store_idx %arg14[%add3A_530, %add3A_630], %select_n3A_625 : memref<80x128xf32, #tpu.memory_space<vmem>>[vector<16xi32>, vector<16xi32>], vector<16xf32>,
      %shift_right_logical3A_631 = arith.constant 5 : i32
      %shift_right_logical3A_632 = vector.broadcast %shift_right_logical3A_631 : i32 to vector<16xi32>
      %shift_right_logical3A_633 = arith.shrui %get3A_518, %shift_right_logical3A_632 : vector<16xi32>
      %swap3A_634 = arith.constant 64 : index
      %swap3A_635 = tpu.vector_load %arg12[%swap3A_634] {strides = array<i32>} : memref<80xi32, #tpu.memory_space<vmem>>, vector<16xi32>,
      tpu.vector_store %arg12[%swap3A_634], %shift_right_logical3A_633 {strides = array<i32>} : memref<80xi32, #tpu.memory_space<vmem>>, vector<16xi32>,
      %scan3A_636 = arith.constant 0 : i32
      %scan3A_637 = arith.constant 0 : i32
      %scan3A_638 = arith.constant 80 : i32
      %scan3A_639 = arith.addi %scan3A_637, %scan3A_638 : i32
      %scan3A_640 = arith.constant 1 : i32
      scf.for %scan3A_668 = %scan3A_637 to %scan3A_639 step %scan3A_640  : i32 {
        %broadcast_in_dim3A_669 = vector.broadcast %scan3A_668 : i32 to vector<16xi32>
        %add3A_670 = arith.constant 0 : i32
        %add3A_671 = vector.broadcast %add3A_670 : i32 to vector<16xi32>
        %add3A_672 = arith.addi %broadcast_in_dim3A_669, %add3A_671 : vector<16xi32>
        %gather3A_673 = tpu.vector_load_idx %arg15[%add3A_672] : memref<640xf32, #tpu.memory_space<vmem>>[vector<16xi32>], vector<16xf32>,
        %add3A_674 = arith.constant 80 : i32
        %add3A_675 = vector.broadcast %add3A_674 : i32 to vector<16xi32>
        %add3A_676 = arith.addi %broadcast_in_dim3A_669, %add3A_675 : vector<16xi32>
        %gather3A_677 = tpu.vector_load_idx %arg15[%add3A_676] : memref<640xf32, #tpu.memory_space<vmem>>[vector<16xi32>], vector<16xf32>,
        %add3A_678 = arith.constant 160 : i32
        %add3A_679 = vector.broadcast %add3A_678 : i32 to vector<16xi32>
        %add3A_680 = arith.addi %broadcast_in_dim3A_669, %add3A_679 : vector<16xi32>
        %gather3A_681 = tpu.vector_load_idx %arg15[%add3A_680] : memref<640xf32, #tpu.memory_space<vmem>>[vector<16xi32>], vector<16xf32>,
        %add3A_682 = arith.constant 240 : i32
        %add3A_683 = vector.broadcast %add3A_682 : i32 to vector<16xi32>
        %add3A_684 = arith.addi %broadcast_in_dim3A_669, %add3A_683 : vector<16xi32>
        %gather3A_685 = tpu.vector_load_idx %arg15[%add3A_684] : memref<640xf32, #tpu.memory_space<vmem>>[vector<16xi32>], vector<16xf32>,
        %get3A_686 = arith.index_cast %scan3A_668 : i32 to index
        %get3A_687 = arith.constant 0 : index
        %get3A_688 = tpu.vector_load %arg13[%get3A_686, %get3A_687] {strides = array<i32>} : memref<80x256xf32, #tpu.memory_space<vmem>>, vector<16xf32>,
        %mul3A_689 = arith.mulf %get3A_688, %gather3A_673 : vector<16xf32>
        %swap3A_690 = arith.index_cast %scan3A_668 : i32 to index
        %swap3A_691 = arith.constant 0 : index
        %swap3A_692 = tpu.vector_load %arg16[%swap3A_690, %swap3A_691] {strides = array<i32>} : memref<80x128xf32, #tpu.memory_space<vmem>>, vector<16xf32>,
        tpu.vector_store %arg16[%swap3A_690, %swap3A_691], %mul3A_689 {strides = array<i32>} : memref<80x128xf32, #tpu.memory_space<vmem>>, vector<16xf32>,
        %get3A_693 = arith.index_cast %scan3A_668 : i32 to index
        %get3A_694 = arith.constant 16 : index
        %get3A_695 = tpu.vector_load %arg13[%get3A_693, %get3A_694] {strides = array<i32>} : memref<80x256xf32, #tpu.memory_space<vmem>>, vector<16xf32>,
        %mul3A_696 = arith.mulf %get3A_695, %gather3A_673 : vector<16xf32>
        %swap3A_697 = arith.index_cast %scan3A_668 : i32 to index
        %swap3A_698 = arith.constant 16 : index
        %swap3A_699 = tpu.vector_load %arg16[%swap3A_697, %swap3A_698] {strides = array<i32>} : memref<80x128xf32, #tpu.memory_space<vmem>>, vector<16xf32>,
        tpu.vector_store %arg16[%swap3A_697, %swap3A_698], %mul3A_696 {strides = array<i32>} : memref<80x128xf32, #tpu.memory_space<vmem>>, vector<16xf32>,
        %get3A_700 = arith.index_cast %scan3A_668 : i32 to index
        %get3A_701 = arith.constant 32 : index
        %get3A_702 = tpu.vector_load %arg13[%get3A_700, %get3A_701] {strides = array<i32>} : memref<80x256xf32, #tpu.memory_space<vmem>>, vector<16xf32>,
        %mul3A_703 = arith.mulf %get3A_702, %gather3A_677 : vector<16xf32>
        %swap3A_704 = arith.index_cast %scan3A_668 : i32 to index
        %swap3A_705 = arith.constant 32 : index
        %swap3A_706 = tpu.vector_load %arg16[%swap3A_704, %swap3A_705] {strides = array<i32>} : memref<80x128xf32, #tpu.memory_space<vmem>>, vector<16xf32>,
        tpu.vector_store %arg16[%swap3A_704, %swap3A_705], %mul3A_703 {strides = array<i32>} : memref<80x128xf32, #tpu.memory_space<vmem>>, vector<16xf32>,
        %get3A_707 = arith.index_cast %scan3A_668 : i32 to index
        %get3A_708 = arith.constant 48 : index
        %get3A_709 = tpu.vector_load %arg13[%get3A_707, %get3A_708] {strides = array<i32>} : memref<80x256xf32, #tpu.memory_space<vmem>>, vector<16xf32>,
        %mul3A_710 = arith.mulf %get3A_709, %gather3A_677 : vector<16xf32>
        %swap3A_711 = arith.index_cast %scan3A_668 : i32 to index
        %swap3A_712 = arith.constant 48 : index
        %swap3A_713 = tpu.vector_load %arg16[%swap3A_711, %swap3A_712] {strides = array<i32>} : memref<80x128xf32, #tpu.memory_space<vmem>>, vector<16xf32>,
        tpu.vector_store %arg16[%swap3A_711, %swap3A_712], %mul3A_710 {strides = array<i32>} : memref<80x128xf32, #tpu.memory_space<vmem>>, vector<16xf32>,
        %get3A_714 = arith.index_cast %scan3A_668 : i32 to index
        %get3A_715 = arith.constant 64 : index
        %get3A_716 = tpu.vector_load %arg13[%get3A_714, %get3A_715] {strides = array<i32>} : memref<80x256xf32, #tpu.memory_space<vmem>>, vector<16xf32>,
        %mul3A_717 = arith.mulf %get3A_716, %gather3A_681 : vector<16xf32>
        %swap3A_718 = arith.index_cast %scan3A_668 : i32 to index
        %swap3A_719 = arith.constant 64 : index
        %swap3A_720 = tpu.vector_load %arg16[%swap3A_718, %swap3A_719] {strides = array<i32>} : memref<80x128xf32, #tpu.memory_space<vmem>>, vector<16xf32>,
        tpu.vector_store %arg16[%swap3A_718, %swap3A_719], %mul3A_717 {strides = array<i32>} : memref<80x128xf32, #tpu.memory_space<vmem>>, vector<16xf32>,
        %get3A_721 = arith.index_cast %scan3A_668 : i32 to index
        %get3A_722 = arith.constant 80 : index
        %get3A_723 = tpu.vector_load %arg13[%get3A_721, %get3A_722] {strides = array<i32>} : memref<80x256xf32, #tpu.memory_space<vmem>>, vector<16xf32>,
        %mul3A_724 = arith.mulf %get3A_723, %gather3A_681 : vector<16xf32>
        %swap3A_725 = arith.index_cast %scan3A_668 : i32 to index
        %swap3A_726 = arith.constant 80 : index
        %swap3A_727 = tpu.vector_load %arg16[%swap3A_725, %swap3A_726] {strides = array<i32>} : memref<80x128xf32, #tpu.memory_space<vmem>>, vector<16xf32>,
        tpu.vector_store %arg16[%swap3A_725, %swap3A_726], %mul3A_724 {strides = array<i32>} : memref<80x128xf32, #tpu.memory_space<vmem>>, vector<16xf32>,
        %get3A_728 = arith.index_cast %scan3A_668 : i32 to index
        %get3A_729 = arith.constant 96 : index
        %get3A_730 = tpu.vector_load %arg13[%get3A_728, %get3A_729] {strides = array<i32>} : memref<80x256xf32, #tpu.memory_space<vmem>>, vector<16xf32>,
        %mul3A_731 = arith.mulf %get3A_730, %gather3A_685 : vector<16xf32>
        %swap3A_732 = arith.index_cast %scan3A_668 : i32 to index
        %swap3A_733 = arith.constant 96 : index
        %swap3A_734 = tpu.vector_load %arg16[%swap3A_732, %swap3A_733] {strides = array<i32>} : memref<80x128xf32, #tpu.memory_space<vmem>>, vector<16xf32>,
        tpu.vector_store %arg16[%swap3A_732, %swap3A_733], %mul3A_731 {strides = array<i32>} : memref<80x128xf32, #tpu.memory_space<vmem>>, vector<16xf32>,
        %get3A_735 = arith.index_cast %scan3A_668 : i32 to index
        %get3A_736 = arith.constant 112 : index
        %get3A_737 = tpu.vector_load %arg13[%get3A_735, %get3A_736] {strides = array<i32>} : memref<80x256xf32, #tpu.memory_space<vmem>>, vector<16xf32>,
        %mul3A_738 = arith.mulf %get3A_737, %gather3A_685 : vector<16xf32>
        %swap3A_739 = arith.index_cast %scan3A_668 : i32 to index
        %swap3A_740 = arith.constant 112 : index
        %swap3A_741 = tpu.vector_load %arg16[%swap3A_739, %swap3A_740] {strides = array<i32>} : memref<80x128xf32, #tpu.memory_space<vmem>>, vector<16xf32>,
        tpu.vector_store %arg16[%swap3A_739, %swap3A_740], %mul3A_738 {strides = array<i32>} : memref<80x128xf32, #tpu.memory_space<vmem>>, vector<16xf32>,
      }
      %scan3A_641 = arith.constant 80 : i32
      %get3A_642 = arith.constant 0 : index
      %get3A_643 = tpu.vector_load %arg9[%get3A_642] {strides = array<i32>} : memref<80xi32, #tpu.memory_space<vmem>>, vector<16xi32>,
      %swap3A_644 = arith.constant 0 : index
      %swap3A_645 = tpu.vector_load %arg11[%swap3A_644] {strides = array<i32>} : memref<80xi32, #tpu.memory_space<vmem>>, vector<16xi32>,
      tpu.vector_store %arg11[%swap3A_644], %get3A_643 {strides = array<i32>} : memref<80xi32, #tpu.memory_space<vmem>>, vector<16xi32>,
      %get3A_646 = arith.constant 16 : index
      %get3A_647 = tpu.vector_load %arg9[%get3A_646] {strides = array<i32>} : memref<80xi32, #tpu.memory_space<vmem>>, vector<16xi32>,
      %swap3A_648 = arith.constant 16 : index
      %swap3A_649 = tpu.vector_load %arg11[%swap3A_648] {strides = array<i32>} : memref<80xi32, #tpu.memory_space<vmem>>, vector<16xi32>,
      tpu.vector_store %arg11[%swap3A_648], %get3A_647 {strides = array<i32>} : memref<80xi32, #tpu.memory_space<vmem>>, vector<16xi32>,
      %get3A_650 = arith.constant 32 : index
      %get3A_651 = tpu.vector_load %arg9[%get3A_650] {strides = array<i32>} : memref<80xi32, #tpu.memory_space<vmem>>, vector<16xi32>,
      %swap3A_652 = arith.constant 32 : index
      %swap3A_653 = tpu.vector_load %arg11[%swap3A_652] {strides = array<i32>} : memref<80xi32, #tpu.memory_space<vmem>>, vector<16xi32>,
      tpu.vector_store %arg11[%swap3A_652], %get3A_651 {strides = array<i32>} : memref<80xi32, #tpu.memory_space<vmem>>, vector<16xi32>,
      %get3A_654 = arith.constant 48 : index
      %get3A_655 = tpu.vector_load %arg9[%get3A_654] {strides = array<i32>} : memref<80xi32, #tpu.memory_space<vmem>>, vector<16xi32>,
      %swap3A_656 = arith.constant 48 : index
      %swap3A_657 = tpu.vector_load %arg11[%swap3A_656] {strides = array<i32>} : memref<80xi32, #tpu.memory_space<vmem>>, vector<16xi32>,
      tpu.vector_store %arg11[%swap3A_656], %get3A_655 {strides = array<i32>} : memref<80xi32, #tpu.memory_space<vmem>>, vector<16xi32>,
      %get3A_658 = arith.constant 64 : index
      %get3A_659 = tpu.vector_load %arg9[%get3A_658] {strides = array<i32>} : memref<80xi32, #tpu.memory_space<vmem>>, vector<16xi32>,
      %swap3A_660 = arith.constant 64 : index
      %swap3A_661 = tpu.vector_load %arg11[%swap3A_660] {strides = array<i32>} : memref<80xi32, #tpu.memory_space<vmem>>, vector<16xi32>,
      tpu.vector_store %arg11[%swap3A_660], %get3A_659 {strides = array<i32>} : memref<80xi32, #tpu.memory_space<vmem>>, vector<16xi32>,
      %dma_start3A_662 = arith.constant 0 : i32
      %dma_start3A_663 = arith.constant 0 : i32
      %dma_start3A_664 = tpu.memref_slice %arg17[%dma_start3A_662, %dma_start3A_663] : memref<10240x128xf32, #tpu.memory_space<vmem_shared>> -> memref<10240x128xf32, #tpu.memory_space<vmem_shared>>
      tpu.enqueue_indirect_dma source(%arg16 : memref<80x128xf32, #tpu.memory_space<vmem>>) target(%dma_start3A_664 : memref<10240x128xf32, #tpu.memory_space<vmem_shared>>) offsets(%arg11 : memref<80xi32, #tpu.memory_space<vmem>>) semaphore(%arg21 : memref<!tpu.dma_semaphore, #tpu.memory_space<semaphore_mem>>) {add = true}
      %dma_start3A_665 = arith.constant 0 : i32
      %dma_start3A_666 = arith.constant 0 : i32
      %dma_start3A_667 = tpu.memref_slice %arg18[%dma_start3A_665, %dma_start3A_666] : memref<384x128xf32, #tpu.memory_space<vmem_shared>> -> memref<384x128xf32, #tpu.memory_space<vmem_shared>>
      tpu.enqueue_indirect_dma source(%arg14 : memref<80x128xf32, #tpu.memory_space<vmem>>) target(%dma_start3A_667 : memref<384x128xf32, #tpu.memory_space<vmem_shared>>) offsets(%arg12 : memref<80xi32, #tpu.memory_space<vmem>>) semaphore(%arg22 : memref<!tpu.dma_semaphore, #tpu.memory_space<semaphore_mem>>) {add = true}
    }
    %scan3A_10 = arith.constant 125 : i32
    %dma_wait3A = arith.constant 0 : i32
    %dma_wait3A_11 = arith.constant 0 : i32
    %dma_wait3A_12 = tpu.memref_slice %arg17[%dma_wait3A, %dma_wait3A_11] : memref<10240x128xf32, #tpu.memory_space<vmem_shared>> -> memref<10240x128xf32, #tpu.memory_space<vmem_shared>>
    tpu.wait_indirect_dma semaphore(%arg21 : memref<!tpu.dma_semaphore, #tpu.memory_space<semaphore_mem>>) src(%arg16 : memref<80x128xf32, #tpu.memory_space<vmem>>) dst(%dma_wait3A_12 : memref<10240x128xf32, #tpu.memory_space<vmem_shared>>)
    %dma_wait3A_13 = arith.constant 0 : i32
    %dma_wait3A_14 = arith.constant 0 : i32
    %dma_wait3A_15 = tpu.memref_slice %arg18[%dma_wait3A_13, %dma_wait3A_14] : memref<384x128xf32, #tpu.memory_space<vmem_shared>> -> memref<384x128xf32, #tpu.memory_space<vmem_shared>>
    tpu.wait_indirect_dma semaphore(%arg22 : memref<!tpu.dma_semaphore, #tpu.memory_space<semaphore_mem>>) src(%arg14 : memref<80x128xf32, #tpu.memory_space<vmem>>) dst(%dma_wait3A_15 : memref<384x128xf32, #tpu.memory_space<vmem_shared>>)
    %barrier3A_16 = arith.constant 0 : index
    tpu.barrier barrier_id(%barrier3A_16)
    %mul3A_17 = arith.constant 640 : i32
    %mul3A_18 = arith.muli %arg1, %mul3A_17 : i32
    %mul3A_19 = arith.constant 640 : i32
    %mul3A_20 = arith.muli %arg1, %mul3A_19 : i32
    "tpu.region"() ({
      %run_scoped3A = tpu.sem_alloc : memref<!tpu.dma_semaphore, #tpu.memory_space<semaphore_mem>>
      %dma_start3A = arith.constant 0 : i32
      %dma_start3A_25 = tpu.memref_slice %arg7[%arg0, %mul3A_20, %dma_start3A] : memref<2x10240x128xf32, #tpu.memory_space<hbm>> -> memref<1x640x128xf32, #tpu.memory_space<hbm>>
      %dma_start3A_26 = tpu.memref_squeeze %dma_start3A_25 : memref<1x640x128xf32, #tpu.memory_space<hbm>> -> memref<640x128xf32, #tpu.memory_space<hbm>>
      %dma_start3A_27 = arith.constant 0 : i32
      %dma_start3A_28 = tpu.memref_slice %arg17[%mul3A_18, %dma_start3A_27] : memref<10240x128xf32, #tpu.memory_space<vmem_shared>> -> memref<640x128xf32, #tpu.memory_space<vmem_shared>>
      tpu.enqueue_dma source(%dma_start3A_28 : memref<640x128xf32, #tpu.memory_space<vmem_shared>>) target(%dma_start3A_26 : memref<640x128xf32, #tpu.memory_space<hbm>>) target_semaphore(%run_scoped3A : memref<!tpu.dma_semaphore, #tpu.memory_space<semaphore_mem>>)
      %dma_wait3A_29 = arith.constant 0 : i32
      %dma_wait3A_30 = tpu.memref_slice %arg7[%arg0, %mul3A_20, %dma_wait3A_29] : memref<2x10240x128xf32, #tpu.memory_space<hbm>> -> memref<1x640x128xf32, #tpu.memory_space<hbm>>
      %dma_wait3A_31 = tpu.memref_squeeze %dma_wait3A_30 : memref<1x640x128xf32, #tpu.memory_space<hbm>> -> memref<640x128xf32, #tpu.memory_space<hbm>>
      %dma_wait3A_32 = arith.constant 0 : i32
      %dma_wait3A_33 = tpu.memref_slice %arg17[%mul3A_18, %dma_wait3A_32] : memref<10240x128xf32, #tpu.memory_space<vmem_shared>> -> memref<640x128xf32, #tpu.memory_space<vmem_shared>>
      tpu.wait_dma2 semaphore(%run_scoped3A : memref<!tpu.dma_semaphore, #tpu.memory_space<semaphore_mem>>) src(%dma_wait3A_33 : memref<640x128xf32, #tpu.memory_space<vmem_shared>>) dst(%dma_wait3A_31 : memref<640x128xf32, #tpu.memory_space<hbm>>)
      tpu.yield
    }) : () -> ()
    %mul3A_21 = arith.constant 24 : i32
    %mul3A_22 = arith.muli %arg1, %mul3A_21 : i32
    %mul3A_23 = arith.constant 24 : i32
    %mul3A_24 = arith.muli %arg1, %mul3A_23 : i32
    "tpu.region"() ({
      %run_scoped3A = tpu.sem_alloc : memref<!tpu.dma_semaphore, #tpu.memory_space<semaphore_mem>>
      %dma_start3A = arith.constant 0 : i32
      %dma_start3A_25 = tpu.memref_slice %arg8[%arg0, %mul3A_24, %dma_start3A] : memref<2x384x128xf32, #tpu.memory_space<hbm>> -> memref<1x24x128xf32, #tpu.memory_space<hbm>>
      %dma_start3A_26 = tpu.memref_squeeze %dma_start3A_25 : memref<1x24x128xf32, #tpu.memory_space<hbm>> -> memref<24x128xf32, #tpu.memory_space<hbm>>
      %dma_start3A_27 = arith.constant 0 : i32
      %dma_start3A_28 = tpu.memref_slice %arg18[%mul3A_22, %dma_start3A_27] : memref<384x128xf32, #tpu.memory_space<vmem_shared>> -> memref<24x128xf32, #tpu.memory_space<vmem_shared>>
      tpu.enqueue_dma source(%dma_start3A_28 : memref<24x128xf32, #tpu.memory_space<vmem_shared>>) target(%dma_start3A_26 : memref<24x128xf32, #tpu.memory_space<hbm>>) target_semaphore(%run_scoped3A : memref<!tpu.dma_semaphore, #tpu.memory_space<semaphore_mem>>)
      %dma_wait3A_29 = arith.constant 0 : i32
      %dma_wait3A_30 = tpu.memref_slice %arg8[%arg0, %mul3A_24, %dma_wait3A_29] : memref<2x384x128xf32, #tpu.memory_space<hbm>> -> memref<1x24x128xf32, #tpu.memory_space<hbm>>
      %dma_wait3A_31 = tpu.memref_squeeze %dma_wait3A_30 : memref<1x24x128xf32, #tpu.memory_space<hbm>> -> memref<24x128xf32, #tpu.memory_space<hbm>>
      %dma_wait3A_32 = arith.constant 0 : i32
      %dma_wait3A_33 = tpu.memref_slice %arg18[%mul3A_22, %dma_wait3A_32] : memref<384x128xf32, #tpu.memory_space<vmem_shared>> -> memref<24x128xf32, #tpu.memory_space<vmem_shared>>
      tpu.wait_dma2 semaphore(%run_scoped3A : memref<!tpu.dma_semaphore, #tpu.memory_space<semaphore_mem>>) src(%dma_wait3A_33 : memref<24x128xf32, #tpu.memory_space<vmem_shared>>) dst(%dma_wait3A_31 : memref<24x128xf32, #tpu.memory_space<hbm>>)
      tpu.yield
    }) : () -> ()
    return
  }
}

module attributes {stable_mosaic.version = 14 : i64} {
  func.func @_proj_body(%arg0: i32, %arg1: memref<1000x128xf32, #tpu.memory_space<vmem>>, %arg2: memref<128x128xf32, #tpu.memory_space<vmem>>, %arg3: memref<1x128xf32, #tpu.memory_space<vmem>>, %arg4: memref<128x8xf32, #tpu.memory_space<vmem>>, %arg5: memref<1000x128xf32, #tpu.memory_space<vmem>>, %arg6: memref<1000x8xf32, #tpu.memory_space<vmem>>, %arg7: memref<1000x256xf32, #tpu.memory_space<vmem>>, %arg8: memref<1000x128xf32, #tpu.memory_space<vmem>>) attributes {dimension_semantics = [#tpu.dimension_semantics<arbitrary>], iteration_bounds = array<i64: 10>, scalar_prefetch = 0 : i64, scratch_operands = 0 : i64, tpu.core_type = #tpu.core_type<tc>, window_params = [{transform_indices = @transform_0, window_bounds = array<i64: 1000, 128>}, {pipeline_mode = #tpu.pipeline_mode<synchronous>, transform_indices = @transform_1, window_bounds = array<i64: 128, 128>}, {pipeline_mode = #tpu.pipeline_mode<synchronous>, transform_indices = @transform_2, window_bounds = array<i64: 1, 128>}, {pipeline_mode = #tpu.pipeline_mode<synchronous>, transform_indices = @transform_3, window_bounds = array<i64: 128, 8>}, {transform_indices = @transform_4, window_bounds = array<i64: 1000, 128>}, {transform_indices = @transform_5, window_bounds = array<i64: 1000, 8>}, {transform_indices = @transform_6, window_bounds = array<i64: 1000, 256>}, {transform_indices = @transform_7, window_bounds = array<i64: 1000, 128>}]} {
    %get3A = arith.constant 0 : index
    %get3A_0 = arith.constant 0 : index
    %get3A_1 = vector.load %arg1[%get3A, %get3A_0] : memref<1000x128xf32, #tpu.memory_space<vmem>>, vector<1000x128xf32>
    %get3A_2 = arith.constant 0 : index
    %get3A_3 = arith.constant 0 : index
    %get3A_4 = vector.load %arg2[%get3A_2, %get3A_3] : memref<128x128xf32, #tpu.memory_space<vmem>>, vector<128x128xf32>
    %dot_general3A = arith.constant dense<0.000000e+00> : vector<1000x128xf32>
    %dot_general3A_5 = tpu.matmul %get3A_1, %get3A_4, %dot_general3A {dimension_numbers = #tpu.dot_dimension_numbers<[1], [0], [0], [1], [0, 0, 1, 1], [], []>, transpose_lhs_hint = false} : vector<1000x128xf32>, vector<128x128xf32>, vector<1000x128xf32> -> vector<1000x128xf32>
    %get3A_6 = arith.constant 0 : index
    %get3A_7 = arith.constant 0 : index
    %get3A_8 = vector.load %arg3[%get3A_6, %get3A_7] : memref<1x128xf32, #tpu.memory_space<vmem>>, vector<1x128xf32>
    %add3A = vector.broadcast %get3A_8 : vector<1x128xf32> to vector<1000x128xf32>
    %add3A_9 = arith.addf %dot_general3A_5, %add3A : vector<1000x128xf32>
    %swap3A = arith.constant 0 : index
    %swap3A_10 = arith.constant 0 : index
    %swap3A_11 = vector.load %arg5[%swap3A, %swap3A_10] : memref<1000x128xf32, #tpu.memory_space<vmem>>, vector<1000x128xf32>
    tpu.vector_store %arg5[%swap3A, %swap3A_10], %add3A_9 {strides = array<i32>} : memref<1000x128xf32, #tpu.memory_space<vmem>>, vector<1000x128xf32>,
    %get3A_12 = arith.constant 0 : index
    %get3A_13 = arith.constant 0 : index
    %get3A_14 = vector.load %arg4[%get3A_12, %get3A_13] : memref<128x8xf32, #tpu.memory_space<vmem>>, vector<128x8xf32>
    %dot_general3A_15 = arith.constant dense<0.000000e+00> : vector<1000x8xf32>
    %dot_general3A_16 = tpu.matmul %add3A_9, %get3A_14, %dot_general3A_15 {dimension_numbers = #tpu.dot_dimension_numbers<[1], [0], [0], [1], [0, 0, 1, 1], [], []>, transpose_lhs_hint = false} : vector<1000x128xf32>, vector<128x8xf32>, vector<1000x8xf32> -> vector<1000x8xf32>
    %swap3A_17 = arith.constant 0 : index
    %swap3A_18 = arith.constant 0 : index
    %swap3A_19 = vector.load %arg6[%swap3A_17, %swap3A_18] : memref<1000x8xf32, #tpu.memory_space<vmem>>, vector<1000x8xf32>
    tpu.vector_store %arg6[%swap3A_17, %swap3A_18], %dot_general3A_16 {strides = array<i32>} : memref<1000x8xf32, #tpu.memory_space<vmem>>, vector<1000x8xf32>,
    %broadcast_in_dim3A = arith.constant 0.000000e+00 : f32
    %broadcast_in_dim3A_20 = vector.broadcast %broadcast_in_dim3A : f32 to vector<1000x120xf32>
    %concatenate3A = tpu.concatenate %add3A_9, %dot_general3A_16, %broadcast_in_dim3A_20 in 1 : vector<1000x128xf32>, vector<1000x8xf32>, vector<1000x120xf32> -> vector<1000x256xf32>
    %swap3A_21 = arith.constant 0 : index
    %swap3A_22 = arith.constant 0 : index
    %swap3A_23 = vector.load %arg7[%swap3A_21, %swap3A_22] : memref<1000x256xf32, #tpu.memory_space<vmem>>, vector<1000x256xf32>
    tpu.vector_store %arg7[%swap3A_21, %swap3A_22], %concatenate3A {strides = array<i32>} : memref<1000x256xf32, #tpu.memory_space<vmem>>, vector<1000x256xf32>,
    %concatenate3A_24 = tpu.concatenate %dot_general3A_16, %broadcast_in_dim3A_20 in 1 : vector<1000x8xf32>, vector<1000x120xf32> -> vector<1000x128xf32>
    %swap3A_25 = arith.constant 0 : index
    %swap3A_26 = arith.constant 0 : index
    %swap3A_27 = vector.load %arg8[%swap3A_25, %swap3A_26] : memref<1000x128xf32, #tpu.memory_space<vmem>>, vector<1000x128xf32>
    tpu.vector_store %arg8[%swap3A_25, %swap3A_26], %concatenate3A_24 {strides = array<i32>} : memref<1000x128xf32, #tpu.memory_space<vmem>>, vector<1000x128xf32>,
    return
  }
  func.func @transform_0(%arg0: i32) -> (i32, i32) {
    %c0_i32 = arith.constant 0 : i32
    %c0_i32_0 = arith.constant 0 : i32
    return %arg0, %c0_i32 : i32, i32
  }
  func.func @transform_1(%arg0: i32) -> (i32, i32) {
    %c0_i32 = arith.constant 0 : i32
    %c0_i32_0 = arith.constant 0 : i32
    %c0_i32_1 = arith.constant 0 : i32
    return %c0_i32, %c0_i32_0 : i32, i32
  }
  func.func @transform_2(%arg0: i32) -> (i32, i32) {
    %c0_i32 = arith.constant 0 : i32
    %c0_i32_0 = arith.constant 0 : i32
    %c0_i32_1 = arith.constant 0 : i32
    return %c0_i32, %c0_i32_0 : i32, i32
  }
  func.func @transform_3(%arg0: i32) -> (i32, i32) {
    %c0_i32 = arith.constant 0 : i32
    %c0_i32_0 = arith.constant 0 : i32
    %c0_i32_1 = arith.constant 0 : i32
    return %c0_i32, %c0_i32_0 : i32, i32
  }
  func.func @transform_4(%arg0: i32) -> (i32, i32) {
    %c0_i32 = arith.constant 0 : i32
    %c0_i32_0 = arith.constant 0 : i32
    return %arg0, %c0_i32 : i32, i32
  }
  func.func @transform_5(%arg0: i32) -> (i32, i32) {
    %c0_i32 = arith.constant 0 : i32
    %c0_i32_0 = arith.constant 0 : i32
    return %arg0, %c0_i32 : i32, i32
  }
  func.func @transform_6(%arg0: i32) -> (i32, i32) {
    %c0_i32 = arith.constant 0 : i32
    %c0_i32_0 = arith.constant 0 : i32
    return %arg0, %c0_i32 : i32, i32
  }
  func.func @transform_7(%arg0: i32) -> (i32, i32) {
    %c0_i32 = arith.constant 0 : i32
    %c0_i32_0 = arith.constant 0 : i32
    return %arg0, %c0_i32 : i32, i32
  }
}

module attributes {stable_mosaic.version = 14 : i64} {
  func.func @_combine_body(%arg0: i32, %arg1: memref<1000x128xf32, #tpu.memory_space<vmem>>, %arg2: memref<1000x128xf32, #tpu.memory_space<vmem>>, %arg3: memref<1000x4xf32, #tpu.memory_space<vmem>>, %arg4: memref<1000x4xf32, #tpu.memory_space<vmem>>, %arg5: memref<1000x128xf32, #tpu.memory_space<vmem>>, %arg6: memref<1000x8xf32, #tpu.memory_space<vmem>>, %arg7: memref<1x128xf32, #tpu.memory_space<vmem>>, %arg8: memref<4x128xf32, #tpu.memory_space<vmem>>, %arg9: memref<1000x128xf32, #tpu.memory_space<vmem>>) attributes {dimension_semantics = [#tpu.dimension_semantics<arbitrary>], iteration_bounds = array<i64: 10>, scalar_prefetch = 0 : i64, scratch_operands = 0 : i64, tpu.core_type = #tpu.core_type<tc>, window_params = [{transform_indices = @transform_0, window_bounds = array<i64: 1000, 128>}, {transform_indices = @transform_1, window_bounds = array<i64: 1000, 128>}, {transform_indices = @transform_2, window_bounds = array<i64: 1000, 4>}, {transform_indices = @transform_3, window_bounds = array<i64: 1000, 4>}, {transform_indices = @transform_4, window_bounds = array<i64: 1000, 128>}, {transform_indices = @transform_5, window_bounds = array<i64: 1000, 8>}, {pipeline_mode = #tpu.pipeline_mode<synchronous>, transform_indices = @transform_6, window_bounds = array<i64: 1, 128>}, {pipeline_mode = #tpu.pipeline_mode<synchronous>, transform_indices = @transform_7, window_bounds = array<i64: 4, 128>}, {transform_indices = @transform_8, window_bounds = array<i64: 1000, 128>}]} {
    %get3A = arith.constant 0 : index
    %get3A_0 = arith.constant 0 : index
    %get3A_1 = vector.load %arg6[%get3A, %get3A_0] : memref<1000x8xf32, #tpu.memory_space<vmem>>, vector<1000x8xf32>
    %slice3A = vector.extract_strided_slice %get3A_1 {offsets = [0, 0], sizes = [1000, 4], strides = [1, 1]} : vector<1000x8xf32> to vector<1000x4xf32>
    %slice3A_2 = vector.extract_strided_slice %get3A_1 {offsets = [0, 4], sizes = [1000, 4], strides = [1, 1]} : vector<1000x8xf32> to vector<1000x4xf32>
    %add3A = arith.addf %slice3A, %slice3A_2 : vector<1000x4xf32>
    %ge3A = arith.constant 0.000000e+00 : f32
    %ge3A_3 = vector.broadcast %ge3A : f32 to vector<1000x4xf32>
    %ge3A_4 = arith.cmpf oge, %add3A, %ge3A_3 : vector<1000x4xf32>
    %mul3A = arith.constant 2.000000e-01 : f32
    %mul3A_5 = vector.broadcast %mul3A : f32 to vector<1000x4xf32>
    %mul3A_6 = arith.mulf %mul3A_5, %add3A : vector<1000x4xf32>
    %select_n3A = arith.select %ge3A_4, %add3A, %mul3A_6 : vector<1000x4xi1>, vector<1000x4xf32>
    %exp3A = math.exp %select_n3A : vector<1000x4xf32>
    %get3A_7 = arith.constant 0 : index
    %get3A_8 = arith.constant 0 : index
    %get3A_9 = vector.load %arg8[%get3A_7, %get3A_8] : memref<4x128xf32, #tpu.memory_space<vmem>>, vector<4x128xf32>
    %dot_general3A = arith.constant dense<0.000000e+00> : vector<1000x128xf32>
    %dot_general3A_10 = tpu.matmul %exp3A, %get3A_9, %dot_general3A {dimension_numbers = #tpu.dot_dimension_numbers<[1], [0], [0], [1], [0, 0, 1, 1], [], []>, transpose_lhs_hint = false} : vector<1000x4xf32>, vector<4x128xf32>, vector<1000x128xf32> -> vector<1000x128xf32>
    %get3A_11 = arith.constant 0 : index
    %get3A_12 = arith.constant 0 : index
    %get3A_13 = vector.load %arg1[%get3A_11, %get3A_12] : memref<1000x128xf32, #tpu.memory_space<vmem>>, vector<1000x128xf32>
    %get3A_14 = arith.constant 0 : index
    %get3A_15 = arith.constant 0 : index
    %get3A_16 = vector.load %arg2[%get3A_14, %get3A_15] : memref<1000x128xf32, #tpu.memory_space<vmem>>, vector<1000x128xf32>
    %add3A_17 = arith.addf %get3A_13, %get3A_16 : vector<1000x128xf32>
    %get3A_18 = arith.constant 0 : index
    %get3A_19 = arith.constant 0 : index
    %get3A_20 = vector.load %arg5[%get3A_18, %get3A_19] : memref<1000x128xf32, #tpu.memory_space<vmem>>, vector<1000x128xf32>
    %mul3A_21 = arith.mulf %dot_general3A_10, %get3A_20 : vector<1000x128xf32>
    %add3A_22 = arith.addf %add3A_17, %mul3A_21 : vector<1000x128xf32>
    %get3A_23 = arith.constant 0 : index
    %get3A_24 = arith.constant 0 : index
    %get3A_25 = vector.load %arg3[%get3A_23, %get3A_24] : memref<1000x4xf32, #tpu.memory_space<vmem>>, vector<1000x4xf32>
    %get3A_26 = arith.constant 0 : index
    %get3A_27 = arith.constant 0 : index
    %get3A_28 = vector.load %arg4[%get3A_26, %get3A_27] : memref<1000x4xf32, #tpu.memory_space<vmem>>, vector<1000x4xf32>
    %add3A_29 = arith.addf %get3A_25, %get3A_28 : vector<1000x4xf32>
    %add3A_30 = arith.addf %add3A_29, %exp3A : vector<1000x4xf32>
    %add3A_31 = arith.constant 1.000000e-16 : f32
    %add3A_32 = vector.broadcast %add3A_31 : f32 to vector<1000x4xf32>
    %add3A_33 = arith.addf %add3A_30, %add3A_32 : vector<1000x4xf32>
    %div3A = arith.constant 1.000000e+00 : f32
    %div3A_34 = vector.broadcast %div3A : f32 to vector<1000x4xf32>
    %div3A_35 = arith.divf %div3A_34, %add3A_33 : vector<1000x4xf32>
    %dot_general3A_36 = arith.constant dense<0.000000e+00> : vector<1000x128xf32>
    %dot_general3A_37 = tpu.matmul %div3A_35, %get3A_9, %dot_general3A_36 {dimension_numbers = #tpu.dot_dimension_numbers<[1], [0], [0], [1], [0, 0, 1, 1], [], []>, transpose_lhs_hint = false} : vector<1000x4xf32>, vector<4x128xf32>, vector<1000x128xf32> -> vector<1000x128xf32>
    %mul3A_38 = arith.mulf %add3A_22, %dot_general3A_37 : vector<1000x128xf32>
    %get3A_39 = arith.constant 0 : index
    %get3A_40 = arith.constant 0 : index
    %get3A_41 = vector.load %arg7[%get3A_39, %get3A_40] : memref<1x128xf32, #tpu.memory_space<vmem>>, vector<1x128xf32>
    %add3A_42 = vector.broadcast %get3A_41 : vector<1x128xf32> to vector<1000x128xf32>
    %add3A_43 = arith.addf %mul3A_38, %add3A_42 : vector<1000x128xf32>
    %max3A = arith.constant 0.000000e+00 : f32
    %max3A_44 = vector.broadcast %max3A : f32 to vector<1000x128xf32>
    %max3A_45 = arith.maximumf %add3A_43, %max3A_44 : vector<1000x128xf32>
    %swap3A = arith.constant 0 : index
    %swap3A_46 = arith.constant 0 : index
    %swap3A_47 = vector.load %arg9[%swap3A, %swap3A_46] : memref<1000x128xf32, #tpu.memory_space<vmem>>, vector<1000x128xf32>
    tpu.vector_store %arg9[%swap3A, %swap3A_46], %max3A_45 {strides = array<i32>} : memref<1000x128xf32, #tpu.memory_space<vmem>>, vector<1000x128xf32>,
    return
  }
  func.func @transform_0(%arg0: i32) -> (i32, i32) {
    %c0_i32 = arith.constant 0 : i32
    %c0_i32_0 = arith.constant 0 : i32
    return %arg0, %c0_i32 : i32, i32
  }
  func.func @transform_1(%arg0: i32) -> (i32, i32) {
    %c0_i32 = arith.constant 0 : i32
    %c0_i32_0 = arith.constant 0 : i32
    return %arg0, %c0_i32 : i32, i32
  }
  func.func @transform_2(%arg0: i32) -> (i32, i32) {
    %c0_i32 = arith.constant 0 : i32
    %c0_i32_0 = arith.constant 0 : i32
    return %arg0, %c0_i32 : i32, i32
  }
  func.func @transform_3(%arg0: i32) -> (i32, i32) {
    %c0_i32 = arith.constant 0 : i32
    %c0_i32_0 = arith.constant 0 : i32
    return %arg0, %c0_i32 : i32, i32
  }
  func.func @transform_4(%arg0: i32) -> (i32, i32) {
    %c0_i32 = arith.constant 0 : i32
    %c0_i32_0 = arith.constant 0 : i32
    return %arg0, %c0_i32 : i32, i32
  }
  func.func @transform_5(%arg0: i32) -> (i32, i32) {
    %c0_i32 = arith.constant 0 : i32
    %c0_i32_0 = arith.constant 0 : i32
    return %arg0, %c0_i32 : i32, i32
  }
  func.func @transform_6(%arg0: i32) -> (i32, i32) {
    %c0_i32 = arith.constant 0 : i32
    %c0_i32_0 = arith.constant 0 : i32
    %c0_i32_1 = arith.constant 0 : i32
    return %c0_i32, %c0_i32_0 : i32, i32
  }
  func.func @transform_7(%arg0: i32) -> (i32, i32) {
    %c0_i32 = arith.constant 0 : i32
    %c0_i32_0 = arith.constant 0 : i32
    %c0_i32_1 = arith.constant 0 : i32
    return %c0_i32, %c0_i32_0 : i32, i32
  }
  func.func @transform_8(%arg0: i32) -> (i32, i32) {
    %c0_i32 = arith.constant 0 : i32
    %c0_i32_0 = arith.constant 0 : i32
    return %arg0, %c0_i32 : i32, i32
  }
}

</mosaic_0001>

<sc_bundles>
// kernel: kernel.5.cloned.1.call-start
scs
__scs_entry_jumppad:
0x0: {  	(pc) =	sbr.rel $0x88, $3  }
0x1: {  	(tag) =	ssettag $0x0;
	lr =	simm.s32 $0x1  }
0x2: {  	[smem:$0x3F9B] =	sst lr;
	_ =	strace $0xD0000000  }
0x3: {  	_ = 	snop  }
0x4: {  	_ = 	snop  }
0x5: {  	_ = 	snop  }
0x6: {  	_ = 	snop  }
0x7: {  	_ = 	snop  }
__scs_overlays_trampoline_lowered:
0x8: {  	[smem:$0x3FAA] =	sst s0  }
0x9: {  	[smem:$0x3FAB] =	sst s1  }
0xa: {  	[smem:$0x3FAC] =	sst s2  }
0xb: {  	[smem:$0x3FAD] =	sst s3  }
0xc: {  	[smem:$0x3FAE] =	sst s4  }
0xd: {  	[smem:$0x3FAF] =	sst s5  }
0xe: {  	[smem:$0x3FB0] =	sst s6  }
0xf: {  	[smem:$0x3FB1] =	sst s7  }
0x10: {  	[smem:$0x3FB2] =	sst s8  }
0x11: {  	[smem:$0x3FB3] =	sst s9;
	s0 =	simm.s32 @!p0 $0x0  }
0x12: {  	s1 =	sld [smem:$0x3F99];
	s0 =	simm.s32 @p0 $0x1  }
0x13: {  	[smem:$0x3FB4] =	sst s0;
	s0 =	simm.s32 @!p1 $0x0  }
0x14: {  	s2 =	sld [smem:$0x3F98];
	s0 =	simm.s32 @p1 $0x1  }
0x15: {  	[smem:$0x3FB5] =	sst s0;
	s0 =	simm.s32 @!p2 $0x0  }
0x16: {  	s3 =	sld [smem:$0x3FDB];
	s0 =	simm.s32 @p2 $0x1  }
0x17: {  	s4 =	simm.s32 $0x1BF5;
	[smem:$0x3FB7] =	sst s0  }
0x18: {  	s0 =	sld [smem:$0x3F9A];
	_ =	swait.ge [sflag:s4], $0x0  }
0x19: {  	s7 =	sld [smem:$0x3F9B]  }
0x1a: {  	s8 =	sadd.s32 $0xFFFFE003, lr  }
0x1b: {  	s9 =	sadd.s32 $0xFFFFFEF7, lr;
	s5 =	simm.s32 $0xFFFFFFFF;
	p2 =	slt.u32 s8, $0xFFFFF086  }
0x1c: {  	p1 =	slt.u32 s9, $0xF7A;
	s5 =	simm.s32 @!p2 $0x0  }
0x1d: {  	s5 =	simm.s32 @p1 $0x1;
	p0 =	seq.s32 s7, s2  }
0x1e: {  	s7 =	smul.u32 @!p0 $0xF7A, s2;
	p2 =	seq.s32 @!p0 s5, $0x0  }
0x1f: {  	s9 =	smul.u32 $0xF7A, s1;
	s8 =	simm.s32 @!p0 $0x1BF5;
	p2 =	por !p2, p0  }
0x20: {  	[sflag:s8] =	ssyncset.s32 @!p0 $0xFFFFF086;
	s6 =	sadd.s32 @!p0 s3, s7;
	s7 =	simm.s32 @!p0 $0x108  }
0x21: {  	s3 =	sadd.s32 s3, s9;
	s6 =	sadd.s32 @!p0 $0x88, s6;
	s7 =	simm.s32 @p2 $0x1082  }
0x22: {  	[simem:s7], [sflag:s8] =	dma.local @!p0 [hbm:s6], $0xF7A  }
0x23: {  	s9 =	sor.u32 $0xD0000000, s2;
	s6 =	simm.s32 $0x108;
	_ =	swait.ge @!p0 [sflag:s8], $0x0  }
0x24: {  	s3 =	sadd.s32 $0x88, s3;
	s6 =	simm.s32 @!p1 $0x1082;
	[sflag:s4] =	ssyncset.s32 $0xFFFFF086  }
0x25: {  	[simem:s6], [sflag:s4] =	dma.local [hbm:s3], $0xF7A  }
0x26: {  	[smem:$0x3F9B] =	sst s1;
	(tag) =	ssettag s2;
	_ =	strace s9  }
0x27: {  	s1 =	sld [smem:$0x3FAB]  }
0x28: {  	s2 =	sld [smem:$0x3FAC]  }
0x29: {  	s4 =	sld [smem:$0x3FAE]  }
0x2a: {  	p0 =	seq.s32 s5, $0x0;
	s5 =	sld [smem:$0x3FAF]  }
0x2b: {  	s6 =	sld [smem:$0x3FB0]  }
0x2c: {  	s7 =	sld [smem:$0x3FB1]  }
0x2d: {  	s3 =	simm.s32 $0x108;
	s8 =	sld [smem:$0x3FB2]  }
0x2e: {  	s3 =	simm.s32 @!p0 $0x1082;
	s9 =	sld [smem:$0x3FB3]  }
0x2f: {  	lr =	sadd.s32 s0, s3;
	s0 =	sld [smem:$0x3FAA]  }
0x30: {  	s3 =	sld [smem:$0x3FAD]  }
0x31: {  	[smem:$0x3FB6] =	sst s10  }
0x32: {  	s10 =	sld [smem:$0x3FB4];
	_ =	sdelay $0x3  }
0x33: {  	p0 =	seq.s32 s10, $0x1;
	s10 =	sld [smem:$0x3FB6];
	_ =	sdelay $0x3  }
0x34: {  	[smem:$0x3FB6] =	sst s10  }
0x35: {  	s10 =	sld [smem:$0x3FB5];
	_ =	sdelay $0x3  }
0x36: {  	p1 =	seq.s32 s10, $0x1;
	s10 =	sld [smem:$0x3FB6];
	_ =	sdelay $0x3  }
0x37: {  	[smem:$0x3FB6] =	sst s10  }
0x38: {  	s10 =	sld [smem:$0x3FB7]  }
0x39: {  	_ = 	snop;
	(pc) =	sbr.ind lr, $3  }
0x3a: {  	_ = 	snop  }
0x3b: {  	_ = 	snop  }
0x3c: {  	p2 =	seq.s32 s10, $0x1;
	s10 =	sld [smem:$0x3FB6]  }
0x3d: {  	_ =	shalt  }
0x3e: {  	_ =	shalt  }
0x3f: {  	_ =	shalt  }
0x40: {  	_ =	shalt  }
0x41: {  	_ =	shalt  }
0x42: {  	_ =	shalt  }
0x43: {  	_ =	shalt  }
0x44: {  	_ =	shalt  }
0x45: {  	_ =	shalt  }
0x46: {  	_ =	shalt  }
0x47: {  	_ =	shalt  }
0x48: {  	_ =	shalt  }
0x49: {  	_ =	shalt  }
0x4a: {  	_ =	shalt  }
0x4b: {  	_ =	shalt  }
0x4c: {  	_ =	shalt  }
0x4d: {  	_ =	shalt  }
0x4e: {  	_ =	shalt  }
0x4f: {  	_ =	shalt  }
0x50: {  	_ =	shalt  }
0x51: {  	_ =	shalt  }
0x52: {  	_ =	shalt  }
0x53: {  	_ =	shalt  }
0x54: {  	_ =	shalt  }
0x55: {  	_ =	shalt  }
0x56: {  	_ =	shalt  }
0x57: {  	_ =	shalt  }
0x58: {  	_ =	shalt  }
0x59: {  	_ =	shalt  }
0x5a: {  	_ =	shalt  }
0x5b: {  	_ =	shalt  }
0x5c: {  	_ =	shalt  }
0x5d: {  	_ =	shalt  }
0x5e: {  	_ =	shalt  }
0x5f: {  	_ =	shalt  }
0x60: {  	_ =	shalt  }
0x61: {  	_ =	shalt  }
0x62: {  	_ =	shalt  }
0x63: {  	_ =	shalt  }
0x64: {  	_ =	shalt  }
0x65: {  	_ =	shalt  }
0x66: {  	_ =	shalt  }
0x67: {  	_ =	shalt  }
0x68: {  	_ =	shalt  }
0x69: {  	_ =	shalt  }
0x6a: {  	_ =	shalt  }
0x6b: {  	_ =	shalt  }
0x6c: {  	_ =	shalt  }
0x6d: {  	_ =	shalt  }
0x6e: {  	_ =	shalt  }
0x6f: {  	_ =	shalt  }
0x70: {  	_ =	shalt  }
0x71: {  	_ =	shalt  }
0x72: {  	_ =	shalt  }
0x73: {  	_ =	shalt  }
0x74: {  	_ =	shalt  }
0x75: {  	_ =	shalt  }
0x76: {  	_ =	shalt  }
0x77: {  	_ =	shalt  }
0x78: {  	_ =	shalt  }
0x79: {  	_ =	shalt  }
0x7a: {  	_ =	shalt  }
0x7b: {  	_ =	shalt  }
0x7c: {  	_ =	shalt  }
0x7d: {  	_ =	shalt  }
0x7e: {  	_ =	shalt  }
0x7f: {  	_ =	shalt  }
0x80: {  	_ =	shalt  }
0x81: {  	_ =	shalt  }
0x82: {  	_ =	shalt  }
0x83: {  	_ =	shalt  }
0x84: {  	_ =	shalt  }
0x85: {  	_ =	shalt  }
0x86: {  	_ =	shalt  }
0x87: {  	_ =	shalt  }
.Lfunc_end0:
.L_simem_size_0:
called_computation_lowered:
.L_overlay_start_0:
0x88: {  	s2 =	sld [smem:$0x3FD9]  }
0x89: {  	s3 =	sld [smem:$0x3FFE];
	_ =	sdelay $0x1  }
0x8a: {  	s1 =	srdreg.scid  }
0x8b: {  	s0 =	sand.u32 $0x1, s1  }
0x8c: {  	s17 =	sshll.u32 s0, $0xA;
	s2 =	sadd.s32 s3, s2  }
0x8d: {  	s2 =	sadd.s32 s2, s17  }
0x8e: {  	[smem:$0x3FC2] =	sst s2  }
0x8f: {  	_ = 	snop  }
0x90: {  	s2 =	sld [smem:$0x3FD0];
	(tm) =	ssettm $0x1  }
0x91: {  	s18 =	sld [smem:$0x3FFB];
	_ =	sdelay $0x3  }
0x92: {  	_ =	strace s18  }
0x93: {  	s3 =	sld [smem:$0x3FFC];
	_ =	sdelay $0x3  }
0x94: {  	_ =	strace s3  }
0x95: {  	s3 =	sld [smem:$0x3FFD];
	_ =	sdelay $0x3  }
0x96: {  	_ =	strace s3  }
0x97: {  	_ =	strace $0x8FFFFFFF  }
0x98: {  	s19 =	sld [smem:$0x3FDB];
	_ =	sdelay $0x1  }
0x99: {  	s4 =	simm.s32 $_scs_section_size  }
0x9a: {  	s5 =	simm.s32 $_size__tile_overlayer_lowered;
	s6 =	simm.s32 $_tile_overlayer_lowered  }
0x9b: {  	s22 =	simm.s32 $0x1BFF;
	s21 =	sshll.u32 s6, $0x1;
	s3 =	sadd.s32 s4, s19  }
0x9c: {  	s7 =	simm.s32 $0x0;
	s20 =	sshll.u32 s5, $0x1;
	s5 =	sadd.s32 s21, s3  }
0x9d: {  	[timem:s7], [sflag:s22] =	dma.local [hbm:s5], s20  }
0x9e: {  	_ =	swait.ge [sflag:s22], s20  }
0x9f: {  	s4 =	ssub.s32 $0x0, s20;
	[sflag:s22] =	ssyncset.done $0x0  }
0xa0: {  	[sflag:s22] =	ssyncadd.s32 s4;
	_ =	sdelay $0x1  }
0xa1: {  	s23 =	simm.s32 $0x1B8B  }
0xa2: {  	_ =	swait.ge [sflag:s23], $0x1  }
0xa3: {  	[sflag:s23] =	ssyncset.done $0x0  }
0xa4: {  	s25 =	simm.s32 $0x1B8E;
	s24 =	sld [smem:$0x3FFE];
	[sflag:s23] =	ssyncadd.s32 $0xFFFFFFFF  }
0xa5: {  	s26 =	simm.s32 $execute0_lowered;
	[smem:$0x3FD2] =	sst s25  }
0xa6: {  	s5 =	sshll.u32 s26, $0x1;
	_ =	strace $0x80000046;
	[dreg:$0x1] =	wrdreg $0xFFFFFFFF  }
0xa7: {  	s28 =	simm.s32 $_size_execute0_lowered;
	s3 =	sadd.s32 s3, s5;
	[dreg:$0x0] =	wrdreg $0x0  }
0xa8: {  	s5 =	sshll.u32 s28, $0x1;
	[dreg:$0x2] =	wrdreg s3  }
0xa9: {  	[dreg:$0x3] =	wrdreg s5  }
0xaa: {  	[dreg:$0x4] =	wrdreg $0xC0  }
0xab: {  	_ =	task [dreg:s7], $0x5FFFF  }
0xac: {  	[dreg:$0x1] =	wrdreg $0xFFFFFFFF  }
0xad: {  	[dreg:$0x0] =	wrdreg $0x60  }
0xae: {  	[dreg:$0x2] =	wrdreg s24  }
0xaf: {  	[dreg:$0x3] =	wrdreg s2  }
0xb0: {  	[dreg:$0x4] =	wrdreg $0xA4800  }
0xb1: {  	[dreg:$0x5] =	wrdreg $0x1E4800  }
0xb2: {  	[dreg:$0x6] =	wrdreg $0x9  }
0xb3: {  	_ =	task.clear_ibuf [dreg:s7], $0x7FFFF;
	_ =	strace $0x90000046  }
0xb4: {  	s29 =	simm.s32 $0x9;
	_ =	strace $0x80000048  }
0xb5: {  	_ =	swait.ge [sflag:s29], $0x1  }
0xb6: {  	[sflag:s29] =	ssyncadd.s32 $0xFFFFFFFF  }
0xb7: {  	_ =	strace $0x90000048  }
0xb8: {  	_ =	sfence  }
0xb9: {  	s30 =	sld [smem:$0x0];
	_ =	sdelay $0x2  }
0xba: {  	s31 =	sshll.u32 s1, $0xD;
	s1 =	sshrl.u32 s1, $0x2  }
0xbb: {  	s3 =	sand.u32 $0x4000, s31;
	s1 =	sadd.s32 s1, s30  }
0xbc: {  	s0 =	sor.u32 s3, s0;
	s1 =	sshll.u32 s1, $0x11  }
0xbd: {  	s0 =	sor.u32 s1, s0  }
0xbe: {  	s0 =	sadd.s32 $0x8F2B, s0  }
0xbf: {  	[sflag:s0] =	ssyncadd.remote.s32 $0x1  }
0xc0: {  	_ =	sfence.sel $0xFFFF  }
0xc1: {  	[dreg:$0x0] =	wrdreg $0xFFFFFFFF;
	(pc) =	sbr.abs _section_cstart, $3  }
0xc2: {  	[dreg:$0x1] =	wrdreg $0xFFFFFFFF  }
0xc3: {  	_ =	task.clear_ibuf [dreg:s7], $0x2FFFF;
	_ =	strace $0x9FFFFFFF  }
0xc4: {  	(tm) =	ssettm $0x7FFFFFFF  }
0xc5: {  	_ =	shalt  }
tec
execute0_lowered:
.L_overlay_start_1:
0x0: {  	(tag) =	ssettag $0x1  }
0x1: {  	v3 =	vlaneseq.u32;
	vm0 =	vmmov $0xffff  }
0x2: {  	v4 =	vimm.s32 $0xF84;
	vm15 =	vcmask $0x300;
	vm14 =	vcmask $0x704  }
0x3: {  	vm13 =	vcmask $0xB08;
	v5 =	vimm.s32 $0xF85;
	vm12 =	vcmask $0xF0C  }
0x4: {  	vm11 =	vcmask $0x1310;
	vm10 =	vcmask $0x1714;
	vm9 =	vcmask $0x1B18  }
0x5: {  	vm8 =	vcmask $0x1F1C;
	vm7 =	vcmask $0x2320;
	vm6 =	vcmask $0x2724  }
0x6: {  	vm5 =	vcmask $0x2B28;
	vm4 =	vcmask $0x2F2C;
	vm3 =	vcmask $0x3330  }
0x7: {  	vm2 =	vcmask $0x3734;
	vm1 =	vcmask $0x3B38;
	v8 =	vimm.s32 $0xF86  }
0x8: {  	v10 =	vimm.s32 $0xF87;
	v11 =	vimm.s32 $0x1F84;
	v14 =	vimm.s32 $0x1F85  }
0x9: {  	v16 =	vimm.s32 $0x1F86;
	v17 =	vimm.s32 $0x1F87;
	v20 =	vimm.s32 $0x2F84  }
0xa: {  	v22 =	vimm.s32 $0x2F85;
	v23 =	vimm.s32 $0x2F86;
	v26 =	vimm.s32 $0x2F87  }
0xb: {  	v28 =	vimm.s32 $0x3F84;
	v29 =	vimm.s32 $0x3F85;
	v32 =	vimm.s32 $0x3F86  }
0xc: {  	v34 =	vimm.s32 $0x3F87;
	v35 =	vimm.s32 $0x4F84;
	v39 =	vimm.s32 $0x4F85  }
0xd: {  	v40 =	vimm.s32 $0x4F86;
	v41 =	vimm.s32 $0x4F87;
	v1 =	vshrl.u32 v3, $0x3  }
0xe: {  	v0 =	vand.u32 $0x7, v3;
	v2 =	vor.u32 $0x8, v3;
	v3 =	vmul.u32 $0x80, v3  }
0xf: {  	v4 =	vsel vm15, $0x404, v4;
	v5 =	vsel vm15, $0x405, v5;
	v9 =	vsel vm15, $0x406, v8  }
0x10: {  	v10 =	vsel vm15, $0x407, v10;
	v11 =	vsel vm15, $0x1404, v11;
	v15 =	vsel vm15, $0x1405, v14  }
0x11: {  	v16 =	vsel vm15, $0x1406, v16;
	v17 =	vsel vm15, $0x1407, v17;
	v21 =	vsel vm15, $0x2404, v20  }
0x12: {  	v22 =	vsel vm15, $0x2405, v22;
	v23 =	vsel vm15, $0x2406, v23;
	v27 =	vsel vm15, $0x2407, v26  }
0x13: {  	v28 =	vsel vm15, $0x3404, v28;
	v29 =	vsel vm15, $0x3405, v29;
	v33 =	vsel vm15, $0x3406, v32  }
0x14: {  	v34 =	vsel vm15, $0x3407, v34;
	v35 =	vsel vm15, $0x4404, v35;
	v39 =	vsel vm15, $0x4405, v39  }
0x15: {  	v40 =	vsel vm15, $0x4406, v40;
	v41 =	vsel vm15, $0x4407, v41;
	v1 =	vmul.u32 $0x8, v1  }
0x16: {  	v4 =	vsel vm14, $0x484, v4;
	v5 =	vsel vm14, $0x485, v5;
	v9 =	vsel vm14, $0x486, v9  }
0x17: {  	v10 =	vsel vm14, $0x487, v10;
	v11 =	vsel vm14, $0x1484, v11;
	v15 =	vsel vm14, $0x1485, v15  }
0x18: {  	v16 =	vsel vm14, $0x1486, v16;
	v17 =	vsel vm14, $0x1487, v17;
	v21 =	vsel vm14, $0x2484, v21  }
0x19: {  	v22 =	vsel vm14, $0x2485, v22;
	v23 =	vsel vm14, $0x2486, v23;
	v27 =	vsel vm14, $0x2487, v27  }
0x1a: {  	v28 =	vsel vm14, $0x3484, v28;
	v29 =	vsel vm14, $0x3485, v29;
	v33 =	vsel vm14, $0x3486, v33  }
0x1b: {  	v34 =	vsel vm14, $0x3487, v34;
	v35 =	vsel vm14, $0x4484, v35;
	v39 =	vsel vm14, $0x4485, v39  }
0x1c: {  	v40 =	vsel vm14, $0x4486, v40;
	v41 =	vsel vm14, $0x4487, v41;
	v4 =	vsel vm13, $0x504, v4  }
0x1d: {  	v5 =	vsel vm13, $0x505, v5;
	v8 =	vor.u32 $0x2, v3;
	v9 =	vsel vm13, $0x506, v9  }
0x1e: {  	v10 =	vsel vm13, $0x507, v10;
	v11 =	vsel vm13, $0x1504, v11;
	v14 =	vor.u32 $0x801, v3  }
0x1f: {  	v15 =	vsel vm13, $0x1505, v15;
	v16 =	vsel vm13, $0x1506, v16;
	v17 =	vsel vm13, $0x1507, v17  }
0x20: {  	v20 =	vor.u32 $0x1000, v3;
	v21 =	vsel vm13, $0x2504, v21;
	v22 =	vsel vm13, $0x2505, v22  }
0x21: {  	v23 =	vsel vm13, $0x2506, v23;
	v26 =	vor.u32 $0x1003, v3;
	v27 =	vsel vm13, $0x2507, v27  }
0x22: {  	v28 =	vsel vm13, $0x3504, v28;
	v29 =	vsel vm13, $0x3505, v29;
	v32 =	vor.u32 $0x1802, v3  }
0x23: {  	v33 =	vsel vm13, $0x3506, v33;
	v34 =	vsel vm13, $0x3507, v34;
	v35 =	vsel vm13, $0x4504, v35  }
0x24: {  	v38 =	vor.u32 $0x2001, v3;
	v39 =	vsel vm13, $0x4505, v39;
	v40 =	vsel vm13, $0x4506, v40  }
0x25: {  	v41 =	vsel vm13, $0x4507, v41;
	v4 =	vsel vm12, $0x584, v4;
	v5 =	vsel vm12, $0x585, v5  }
0x26: {  	v9 =	vsel vm12, $0x586, v9;
	v10 =	vsel vm12, $0x587, v10;
	v11 =	vsel vm12, $0x1584, v11  }
0x27: {  	v15 =	vsel vm12, $0x1585, v15;
	v16 =	vsel vm12, $0x1586, v16;
	v17 =	vsel vm12, $0x1587, v17  }
0x28: {  	v21 =	vsel vm12, $0x2584, v21;
	v22 =	vsel vm12, $0x2585, v22;
	v23 =	vsel vm12, $0x2586, v23  }
0x29: {  	v27 =	vsel vm12, $0x2587, v27;
	v28 =	vsel vm12, $0x3584, v28;
	v29 =	vsel vm12, $0x3585, v29  }
0x2a: {  	v33 =	vsel vm12, $0x3586, v33;
	v34 =	vsel vm12, $0x3587, v34;
	v35 =	vsel vm12, $0x4584, v35  }
0x2b: {  	v39 =	vsel vm12, $0x4585, v39;
	v40 =	vsel vm12, $0x4586, v40;
	v41 =	vsel vm12, $0x4587, v41  }
0x2c: {  	v4 =	vsel vm11, $0x604, v4;
	v5 =	vsel vm11, $0x605, v5;
	v9 =	vsel vm11, $0x606, v9  }
0x2d: {  	v10 =	vsel vm11, $0x607, v10;
	v11 =	vsel vm11, $0x1604, v11;
	v15 =	vsel vm11, $0x1605, v15  }
0x2e: {  	v16 =	vsel vm11, $0x1606, v16;
	v17 =	vsel vm11, $0x1607, v17;
	v21 =	vsel vm11, $0x2604, v21  }
0x2f: {  	v22 =	vsel vm11, $0x2605, v22;
	v23 =	vsel vm11, $0x2606, v23;
	v27 =	vsel vm11, $0x2607, v27  }
0x30: {  	v28 =	vsel vm11, $0x3604, v28;
	v29 =	vsel vm11, $0x3605, v29;
	v33 =	vsel vm11, $0x3606, v33  }
0x31: {  	v34 =	vsel vm11, $0x3607, v34;
	v35 =	vsel vm11, $0x4604, v35;
	v39 =	vsel vm11, $0x4605, v39  }
0x32: {  	v40 =	vsel vm11, $0x4606, v40;
	v41 =	vsel vm11, $0x4607, v41;
	v4 =	vsel vm10, $0x684, v4  }
0x33: {  	v5 =	vsel vm10, $0x685, v5;
	v9 =	vsel vm10, $0x686, v9;
	v10 =	vsel vm10, $0x687, v10  }
0x34: {  	v11 =	vsel vm10, $0x1684, v11;
	v15 =	vsel vm10, $0x1685, v15;
	v16 =	vsel vm10, $0x1686, v16  }
0x35: {  	v17 =	vsel vm10, $0x1687, v17;
	v21 =	vsel vm10, $0x2684, v21;
	v22 =	vsel vm10, $0x2685, v22  }
0x36: {  	v23 =	vsel vm10, $0x2686, v23;
	v27 =	vsel vm10, $0x2687, v27;
	v28 =	vsel vm10, $0x3684, v28  }
0x37: {  	v29 =	vsel vm10, $0x3685, v29;
	v33 =	vsel vm10, $0x3686, v33;
	v34 =	vsel vm10, $0x3687, v34  }
0x38: {  	v35 =	vsel vm10, $0x4684, v35;
	v39 =	vsel vm10, $0x4685, v39;
	v40 =	vsel vm10, $0x4686, v40  }
0x39: {  	v41 =	vsel vm10, $0x4687, v41;
	v4 =	vsel vm9, $0x704, v4;
	v5 =	vsel vm9, $0x705, v5  }
0x3a: {  	v9 =	vsel vm9, $0x706, v9;
	v10 =	vsel vm9, $0x707, v10;
	v11 =	vsel vm9, $0x1704, v11  }
0x3b: {  	v15 =	vsel vm9, $0x1705, v15;
	v16 =	vsel vm9, $0x1706, v16;
	v17 =	vsel vm9, $0x1707, v17  }
0x3c: {  	v21 =	vsel vm9, $0x2704, v21;
	v22 =	vsel vm9, $0x2705, v22;
	v23 =	vsel vm9, $0x2706, v23  }
0x3d: {  	v27 =	vsel vm9, $0x2707, v27;
	v28 =	vsel vm9, $0x3704, v28;
	v29 =	vsel vm9, $0x3705, v29  }
0x3e: {  	v33 =	vsel vm9, $0x3706, v33;
	v34 =	vsel vm9, $0x3707, v34;
	v35 =	vsel vm9, $0x4704, v35  }
0x3f: {  	v39 =	vsel vm9, $0x4705, v39;
	v40 =	vsel vm9, $0x4706, v40;
	v41 =	vsel vm9, $0x4707, v41  }
0x40: {  	v4 =	vsel vm8, $0x784, v4;
	v5 =	vsel vm8, $0x785, v5;
	v9 =	vsel vm8, $0x786, v9  }
0x41: {  	v10 =	vsel vm8, $0x787, v10;
	v11 =	vsel vm8, $0x1784, v11;
	v15 =	vsel vm8, $0x1785, v15  }
0x42: {  	v16 =	vsel vm8, $0x1786, v16;
	v17 =	vsel vm8, $0x1787, v17;
	v21 =	vsel vm8, $0x2784, v21  }
0x43: {  	v22 =	vsel vm8, $0x2785, v22;
	v23 =	vsel vm8, $0x2786, v23;
	v27 =	vsel vm8, $0x2787, v27  }
0x44: {  	v28 =	vsel vm8, $0x3784, v28;
	v29 =	vsel vm8, $0x3785, v29;
	v33 =	vsel vm8, $0x3786, v33  }
0x45: {  	v34 =	vsel vm8, $0x3787, v34;
	v35 =	vsel vm8, $0x4784, v35;
	v39 =	vsel vm8, $0x4785, v39  }
0x46: {  	v40 =	vsel vm8, $0x4786, v40;
	v41 =	vsel vm8, $0x4787, v41;
	v4 =	vsel vm7, $0xC04, v4  }
0x47: {  	v5 =	vsel vm7, $0xC05, v5;
	v9 =	vsel vm7, $0xC06, v9;
	v10 =	vsel vm7, $0xC07, v10  }
0x48: {  	v11 =	vsel vm7, $0x1C04, v11;
	v15 =	vsel vm7, $0x1C05, v15;
	v16 =	vsel vm7, $0x1C06, v16  }
0x49: {  	v17 =	vsel vm7, $0x1C07, v17;
	v21 =	vsel vm7, $0x2C04, v21;
	v22 =	vsel vm7, $0x2C05, v22  }
0x4a: {  	v23 =	vsel vm7, $0x2C06, v23;
	v27 =	vsel vm7, $0x2C07, v27;
	v28 =	vsel vm7, $0x3C04, v28  }
0x4b: {  	v29 =	vsel vm7, $0x3C05, v29;
	v33 =	vsel vm7, $0x3C06, v33;
	v34 =	vsel vm7, $0x3C07, v34  }
0x4c: {  	v35 =	vsel vm7, $0x4C04, v35;
	v39 =	vsel vm7, $0x4C05, v39;
	v40 =	vsel vm7, $0x4C06, v40  }
0x4d: {  	v41 =	vsel vm7, $0x4C07, v41;
	v4 =	vsel vm6, $0xC84, v4;
	v5 =	vsel vm6, $0xC85, v5  }
0x4e: {  	v9 =	vsel vm6, $0xC86, v9;
	v10 =	vsel vm6, $0xC87, v10;
	v11 =	vsel vm6, $0x1C84, v11  }
0x4f: {  	v15 =	vsel vm6, $0x1C85, v15;
	v16 =	vsel vm6, $0x1C86, v16;
	v17 =	vsel vm6, $0x1C87, v17  }
0x50: {  	v21 =	vsel vm6, $0x2C84, v21;
	v22 =	vsel vm6, $0x2C85, v22;
	v23 =	vsel vm6, $0x2C86, v23  }
0x51: {  	v27 =	vsel vm6, $0x2C87, v27;
	v28 =	vsel vm6, $0x3C84, v28;
	v29 =	vsel vm6, $0x3C85, v29  }
0x52: {  	v33 =	vsel vm6, $0x3C86, v33;
	v34 =	vsel vm6, $0x3C87, v34;
	v35 =	vsel vm6, $0x4C84, v35  }
0x53: {  	v39 =	vsel vm6, $0x4C85, v39;
	v40 =	vsel vm6, $0x4C86, v40;
	v41 =	vsel vm6, $0x4C87, v41  }
0x54: {  	v4 =	vsel vm5, $0xD04, v4;
	v5 =	vsel vm5, $0xD05, v5;
	v9 =	vsel vm5, $0xD06, v9  }
0x55: {  	v10 =	vsel vm5, $0xD07, v10;
	v11 =	vsel vm5, $0x1D04, v11;
	v15 =	vsel vm5, $0x1D05, v15  }
0x56: {  	v16 =	vsel vm5, $0x1D06, v16;
	v17 =	vsel vm5, $0x1D07, v17;
	v21 =	vsel vm5, $0x2D04, v21  }
0x57: {  	v22 =	vsel vm5, $0x2D05, v22;
	v23 =	vsel vm5, $0x2D06, v23;
	v27 =	vsel vm5, $0x2D07, v27  }
0x58: {  	v28 =	vsel vm5, $0x3D04, v28;
	v29 =	vsel vm5, $0x3D05, v29;
	v33 =	vsel vm5, $0x3D06, v33  }
0x59: {  	v34 =	vsel vm5, $0x3D07, v34;
	v35 =	vsel vm5, $0x4D04, v35;
	v39 =	vsel vm5, $0x4D05, v39  }
0x5a: {  	v40 =	vsel vm5, $0x4D06, v40;
	v41 =	vsel vm5, $0x4D07, v41;
	v4 =	vsel vm4, $0xD84, v4  }
0x5b: {  	v7 =	vsel vm4, $0xD85, v5;
	v9 =	vsel vm4, $0xD86, v9;
	v10 =	vsel vm4, $0xD87, v10  }
0x5c: {  	v13 =	vsel vm4, $0x1D84, v11;
	v15 =	vsel vm4, $0x1D85, v15;
	v16 =	vsel vm4, $0x1D86, v16  }
0x5d: {  	v19 =	vsel vm4, $0x1D87, v17;
	v21 =	vsel vm4, $0x2D84, v21;
	v22 =	vsel vm4, $0x2D85, v22  }
0x5e: {  	v25 =	vsel vm4, $0x2D86, v23;
	v27 =	vsel vm4, $0x2D87, v27;
	v28 =	vsel vm4, $0x3D84, v28  }
0x5f: {  	v31 =	vsel vm4, $0x3D85, v29;
	v33 =	vsel vm4, $0x3D86, v33;
	v34 =	vsel vm4, $0x3D87, v34  }
0x60: {  	v37 =	vsel vm4, $0x4D84, v35;
	v39 =	vsel vm4, $0x4D85, v39;
	v40 =	vsel vm4, $0x4D86, v40  }
0x61: {  	s0 =	rddreg [dreg:$0x0];
	v41 =	vsel vm4, $0x4D87, v41;
	v4 =	vsel vm3, $0xE04, v4;
	v7 =	vsel vm3, $0xE05, v7  }
0x62: {  	s11 =	rddreg [dreg:$0x2];
	v9 =	vsel vm3, $0xE06, v9;
	v10 =	vsel vm3, $0xE07, v10;
	v13 =	vsel vm3, $0x1E04, v13  }
0x63: {  	s12 =	rddreg [dreg:$0x3];
	v15 =	vsel vm3, $0x1E05, v15;
	v16 =	vsel vm3, $0x1E06, v16;
	v19 =	vsel vm3, $0x1E07, v19  }
0x64: {  	s1 =	srdreg.scid;
	s5 =	simm.s32 $0x0;
	s13 =	stileid.u32;
	v21 =	vsel vm3, $0x2E04, v21;
	v22 =	vsel vm3, $0x2E05, v22;
	v25 =	vsel vm3, $0x2E06, v25  }
0x65: {  	s28 =	simm.s32 $0x4200;
	s29 =	simm.s32 $0x4A00;
	s30 =	simm.s32 $0x50;
	v27 =	vsel vm3, $0x2E07, v27;
	v28 =	vsel vm3, $0x3E04, v28;
	v31 =	vsel vm3, $0x3E05, v31  }
0x66: {  	s31 =	simm.s32 $0x7C80;
	s1 =	sand.u32 $0x1, s1;
	s3 =	smul.u32 $0x14000, s13;
	v33 =	vsel vm3, $0x3E06, v33;
	v34 =	vsel vm3, $0x3E07, v34;
	v37 =	vsel vm3, $0x4E04, v37  }
0x67: {  	[smem:$0x7FF] =	sst s5;
	s6 =	sadd.s32 $0xBA00, s0;
	s9 =	smul.u32 $0xC00, s13;
	v39 =	vsel vm3, $0x4E05, v39;
	v42 =	vsel vm3, $0x4E06, v40;
	v41 =	vsel vm3, $0x4E07, v41  }
0x68: {  	s7 =	sadd.s32 $0x1C00, s0;
	s8 =	sadd.s32 $0x15800, s0;
	s20 =	smul.u32 $0x50000, s13;
	v40 =	vor.u32 $0x2002, v3;
	v6 =	vsel vm2, $0xE84, v4;
	v4 =	vimm.f32 $0.0e+00  }
0x69: {  	s16 =	sadd.s32 $0xB1E00, s0;
	s21 =	sshll.u32 s13, $0x1;
	s10 =	smul.u32 $0x3000, s13;
	v7 =	vsel vm2, $0xE85, v7;
	v9 =	vsel vm2, $0xE86, v9;
	v12 =	vsel vm2, $0xE87, v10  }
0x6a: {  	s23 =	sshll.u32 s13, $0x6;
	s13 =	simm.s32 $0x7A00;
	s2 =	smul.u32 $0x140000, s1;
	v10 =	vor.u32 $0x3, v3;
	v13 =	vsel vm2, $0x1E84, v13;
	v15 =	vsel vm2, $0x1E85, v15  }
0x6b: {  	s14 =	simm.s32 $0x100;
	_ =	strace $0x80000047;
	s4 =	smul.u32 $0xC000, s1;
	v18 =	vsel vm2, $0x1E86, v16;
	v16 =	vor.u32 $0x802, v3;
	v19 =	vsel vm2, $0x1E87, v19  }
0x6c: {  	[dreg:$0x5] =	wrdreg s16;
	s18 =	ssub.s32 $0x2, s1;
	s1 =	sor.u32 s1, s21;
	v21 =	vsel vm2, $0x2E84, v21;
	v24 =	vsel vm2, $0x2E85, v22;
	v22 =	vor.u32 $0x1001, v3  }
0x6d: {  	s15 =	sor.u32 $0x1C05, s23;
	s16 =	simm.s32 $0x5;
	s21 =	simm.s32 $0x1200;
	v25 =	vsel vm2, $0x2E86, v25;
	v27 =	vsel vm2, $0x2E87, v27;
	v30 =	vsel vm2, $0x3E84, v28  }
0x6e: {  	s23 =	simm.s32 $0x2200;
	s19 =	sshrl.u32 s18, $0x1;
	s22 =	sshrl.u32 s20, $0x2;
	v28 =	vor.u32 $0x1800, v3;
	v31 =	vsel vm2, $0x3E85, v31;
	v33 =	vsel vm2, $0x3E86, v33  }
0x6f: {  	s24 =	sshrl.u32 s10, $0x2;
	s20 =	simm.s32 $0xA00;
	s10 =	simm.s32 $0x0;
	v36 =	vsel vm2, $0x3E87, v34;
	v34 =	vor.u32 $0x1803, v3;
	v37 =	vsel vm2, $0x4E84, v37  }
0x70: {  	[dreg:$0x6] =	wrdreg s15;
	s2 =	sadd.s32 s3, s2;
	s17 =	sadd.s32 s9, s4;
	v39 =	vsel vm2, $0x4E85, v39;
	v42 =	vsel vm2, $0x4E86, v42;
	v43 =	vsel vm2, $0x4E87, v41  }
0x71: {  	s4 =	sadd.s32 s22, s11;
	s9 =	sadd.s32 s24, s12;
	s11 =	smul.u32 $0x2710, s1;
	v5 =	vsel vm1, $0xF04, v6;
	v6 =	vor.u32 $0x1, v3;
	v7 =	vsel vm1, $0xF05, v7  }
0x72: {  	s22 =	simm.s32 $0x1A00;
	s24 =	simm.s32 $0x2A00;
	s12 =	simm.s32 $0x5200;
	v9 =	vsel vm1, $0xF06, v9;
	v11 =	vsel vm1, $0xF07, v12;
	v12 =	vor.u32 $0x800, v3  }
0x73: {  	s2 =	sshrl.u32 s2, $0x3;
	s3 =	sshrl.u32 s17, $0x3;
	s1 =	sshrl.u32 s4, $0x3;
	v13 =	vsel vm1, $0x1F04, v13;
	v15 =	vsel vm1, $0x1F05, v15;
	v17 =	vsel vm1, $0x1F06, v18  }
0x74: {  	s4 =	simm.s32 $0x2;
	s2 =	sadd.s32 s2, s0;
	s0 =	sadd.s32 s3, s0;
	v18 =	vor.u32 $0x803, v3;
	v19 =	vsel vm1, $0x1F07, v19;
	v21 =	vsel vm1, $0x2F04, v21  }
0x75: {  	s3 =	ssub.s32 s18, s19;
	[dreg:$0xa] =	wrdreg s1;
	s25 =	sadd.s32 $0xB7600, s2;
	v23 =	vsel vm1, $0x2F05, v24;
	v24 =	vor.u32 $0x1002, v3;
	v25 =	vsel vm1, $0x2F06, v25  }
0x76: {  	s19 =	simm.s32 $0x200;
	s0 =	sadd.s32 $0xB4600, s0;
	[dreg:$0x7] =	wrdreg s25;
	v27 =	vsel vm1, $0x2F07, v27;
	v29 =	vsel vm1, $0x3F04, v30;
	v30 =	vor.u32 $0x1801, v3  }
0x77: {  	s26 =	smax.u32 s3, $0x1;
	s3 =	sshrl.u32 s9, $0x3;
	[dreg:$0x8] =	wrdreg s0;
	v31 =	vsel vm1, $0x3F05, v31;
	v33 =	vsel vm1, $0x3F06, v33;
	v35 =	vsel vm1, $0x3F07, v36  }
0x78: {  	s2 =	simm.s32 $0x1;
	s9 =	simm.s32 $0x180;
	[dreg:$0x9] =	wrdreg s26;
	v36 =	vor.u32 $0x2000, v3;
	v37 =	vsel vm1, $0x4F04, v37;
	v39 =	vsel vm1, $0x4F05, v39  }
0x79: {  	s25 =	simm.s32 $0x3200;
	s26 =	simm.s32 $0x3A00;
	[dreg:$0xb] =	wrdreg s3;
	v41 =	vsel vm1, $0x4F06, v42;
	v42 =	vor.u32 $0x2003, v3;
	v43 =	vsel vm1, $0x4F07, v43  }
.LBB2_1:
0x7a: {  	[dreg:$0xc] =	wrdreg s10  }
0x7b: {  	s0 =	rddreg [dreg:$0x5]  }
0x7c: {  	[spmem:s1], [sflag:s15] =	dma.local [hbm:s0], $0x2800  }
0x7d: {  	_ =	swait.ge [sflag:s16], $0x2800  }
0x7e: {  	[sflag:s16] =	ssyncset.done $0x0  }
0x7f: {  	[sflag:s16] =	ssyncadd.s32 $0xFFFFD800  }
0x80: {  	[spmem:s3], [sflag:s15] =	dma.local [hbm:s0], $0x180  }
0x81: {  	_ =	swait.ge [sflag:s16], $0x180  }
0x82: {  	[sflag:s16] =	ssyncset.done $0x0  }
0x83: {  	[sflag:s16] =	ssyncadd.s32 $0xFFFFFE80  }
0x84: {  	s17 =	simm.s32 $0x0;
	[bflag:$0x0] =	sbarrier.arrive $0xFFFF  }
.LBB2_2:
0x85: {  	s0 =	smul.u32 $0x50, s17;
	_ =	sdelay $0x1  }
0x86: {  	s0 =	sadd.s32 s11, s0  }
0x87: {  	s0 =	sshrl.u32 s0, $0x3  }
0x88: {  	s1 =	sadd.s32 s6, s0  }
0x89: {  	[tilespmem:s5], [sflag:$0x5] =	stream.linear.gather [hbm4b:s1+s5], $0x50, $0x38;
	[tilespmem:$0x1F080] =	vst v63  }
0x8a: {  	_ =	swait.ge [sflag:s16], $0x50  }
0x8b: {  	[sflag:s16] =	ssyncset.done $0x0  }
0x8c: {  	s10 =	simm.s32 $0x80;
	s0 =	sadd.s32 s7, s0;
	[sflag:s16] =	ssyncadd.s32 $0xFFFFFFB0  }
0x8d: {  	[tilespmem:s10], [sflag:$0x5] =	stream.linear.gather [hbm4b:s0+s5], $0x50, $0x38;
	[tilespmem:$0x1F080] =	vst v63  }
0x8e: {  	_ =	swait.ge [sflag:s16], $0x50  }
0x8f: {  	[sflag:s16] =	ssyncset.done $0x0  }
0x90: {  	[sflag:s16] =	ssyncadd.s32 $0xFFFFFFB0  }
0x91: {  	v44 =	vld [tilespmem:$0x80];
	_ =	sdelay $0x4  }
0x92: {  	v45 =	vshll.u32 v44, $0x1  }
0x93: {  	v44 =	vand.u32 $0x7, v44;
	v45 =	vand.u32 $0xFFFFFFF0, v45  }
0x94: {  	v44 =	vor.u32 v44, v45  }
0x95: {  	v45 =	vperm.xlane v44, v0;
	_ =	sdelay $0x1  }
0x96: {  	v44 =	vperm.xlane v44, v2;
	v45 =	vadd.s32 v1, v45;
	_ =	sdelay $0x1  }
0x97: {  	v44 =	vadd.s32 v1, v44;
	_ =	sdelay $0x2  }
0x98: {  	[tilespmem:s19], [sflag:$0x1] =	stream.indirect_vreg.gather [hbm4b:s8+s5], $0x80, v45, vm0, $0xb8;
	[tilespmem:$0x1F080] =	vst v63  }
0x99: {  	_ = 	snop  }
0x9a: {  	[tilespmem:s20], [sflag:$0x1] =	stream.indirect_vreg.gather [hbm4b:s8+s5], $0x80, v44, vm0, $0xb8;
	[tilespmem:$0x1F080] =	vst v63  }
0x9b: {  	v44 =	vld [tilespmem:$0x90];
	_ =	sdelay $0x4  }
0x9c: {  	v60 =	vshll.u32 v44, $0x1  }
0x9d: {  	v44 =	vand.u32 $0x7, v44;
	v45 =	vand.u32 $0xFFFFFFF0, v60  }
0x9e: {  	v44 =	vor.u32 v44, v45  }
0x9f: {  	v45 =	vperm.xlane v44, v0;
	_ =	sdelay $0x1  }
0xa0: {  	v44 =	vperm.xlane v44, v2;
	v45 =	vadd.s32 v1, v45;
	_ =	sdelay $0x1  }
0xa1: {  	v44 =	vadd.s32 v1, v44;
	_ =	sdelay $0x2  }
0xa2: {  	[tilespmem:s21], [sflag:$0x1] =	stream.indirect_vreg.gather [hbm4b:s8+s5], $0x80, v45, vm0, $0xb8;
	[tilespmem:$0x1F080] =	vst v63  }
0xa3: {  	_ = 	snop  }
0xa4: {  	[tilespmem:s22], [sflag:$0x1] =	stream.indirect_vreg.gather [hbm4b:s8+s5], $0x80, v44, vm0, $0xb8;
	[tilespmem:$0x1F080] =	vst v63  }
0xa5: {  	v44 =	vld [tilespmem:$0xA0];
	_ =	sdelay $0x4  }
0xa6: {  	v61 =	vshll.u32 v44, $0x1  }
0xa7: {  	v44 =	vand.u32 $0x7, v44;
	v45 =	vand.u32 $0xFFFFFFF0, v61  }
0xa8: {  	v44 =	vor.u32 v44, v45  }
0xa9: {  	v45 =	vperm.xlane v44, v0;
	_ =	sdelay $0x1  }
0xaa: {  	v44 =	vperm.xlane v44, v2;
	v45 =	vadd.s32 v1, v45;
	_ =	sdelay $0x1  }
0xab: {  	v44 =	vadd.s32 v1, v44;
	_ =	sdelay $0x2  }
0xac: {  	[tilespmem:s23], [sflag:$0x1] =	stream.indirect_vreg.gather [hbm4b:s8+s5], $0x80, v45, vm0, $0xb8;
	[tilespmem:$0x1F080] =	vst v63  }
0xad: {  	_ = 	snop  }
0xae: {  	[tilespmem:s24], [sflag:$0x1] =	stream.indirect_vreg.gather [hbm4b:s8+s5], $0x80, v44, vm0, $0xb8;
	[tilespmem:$0x1F080] =	vst v63  }
0xaf: {  	v44 =	vld [tilespmem:$0xB0];
	_ =	sdelay $0x4  }
0xb0: {  	v62 =	vshll.u32 v44, $0x1  }
0xb1: {  	v44 =	vand.u32 $0x7, v44;
	v45 =	vand.u32 $0xFFFFFFF0, v62  }
0xb2: {  	v44 =	vor.u32 v44, v45  }
0xb3: {  	v45 =	vperm.xlane v44, v0;
	_ =	sdelay $0x1  }
0xb4: {  	v44 =	vperm.xlane v44, v2;
	v45 =	vadd.s32 v1, v45;
	_ =	sdelay $0x1  }
0xb5: {  	v44 =	vadd.s32 v1, v44;
	_ =	sdelay $0x2  }
0xb6: {  	[tilespmem:s25], [sflag:$0x1] =	stream.indirect_vreg.gather [hbm4b:s8+s5], $0x80, v45, vm0, $0xb8;
	[tilespmem:$0x1F080] =	vst v63  }
0xb7: {  	_ = 	snop  }
0xb8: {  	[tilespmem:s26], [sflag:$0x1] =	stream.indirect_vreg.gather [hbm4b:s8+s5], $0x80, v44, vm0, $0xb8;
	[tilespmem:$0x1F080] =	vst v63  }
0xb9: {  	v44 =	vld [tilespmem:$0xC0];
	_ =	sdelay $0x4  }
0xba: {  	v63 =	vshll.u32 v44, $0x1  }
0xbb: {  	v44 =	vand.u32 $0x7, v44;
	v45 =	vand.u32 $0xFFFFFFF0, v63  }
0xbc: {  	v44 =	vor.u32 v44, v45  }
0xbd: {  	v45 =	vperm.xlane v44, v0;
	_ =	sdelay $0x1  }
0xbe: {  	v44 =	vperm.xlane v44, v2;
	v45 =	vadd.s32 v1, v45;
	_ =	sdelay $0x1  }
0xbf: {  	v44 =	vadd.s32 v1, v44;
	_ =	sdelay $0x1  }
0xc0: {  	p0 =	seq.s32 s17, $0x0  }
0xc1: {  	[tilespmem:s28], [sflag:$0x1] =	stream.indirect_vreg.gather [hbm4b:s8+s5], $0x80, v45, vm0, $0xb8;
	[tilespmem:$0x1F080] =	vst v63  }
0xc2: {  	s0 =	simm.s32 @!p0 $0x3  }
0xc3: {  	[tilespmem:s29], [sflag:$0x1] =	stream.indirect_vreg.gather [hbm4b:s8+s5], $0x80, v44, vm0, $0xb8;
	[tilespmem:$0x1F080] =	vst v63  }
0xc4: {  	_ =	swait.ge @!p0 [sflag:s0], $0x2800  }
0xc5: {  	[sflag:s0] =	ssyncset.done @!p0 $0x0  }
0xc6: {  	[sflag:s0] =	ssyncadd.s32 @!p0 $0xFFFFD800;
	s0 =	simm.s32 @!p0 $0x4  }
0xc7: {  	_ =	swait.ge @!p0 [sflag:s0], $0x2800  }
0xc8: {  	[sflag:s0] =	ssyncset.done @!p0 $0x0  }
0xc9: {  	s15 =	simm.s32 $0x0;
	[sflag:s0] =	ssyncadd.s32 @!p0 $0xFFFFD800  }
0xca: {  	s1 =	simm.s32 $0x200;
	s0 =	simm.s32 $0x0;
	s18 =	rddreg [dreg:$0x1]  }
0xcb: {  	[tilespmem:s31], [sflag:$0x2] =	stream.indirect.gather [hbm4b:s18+s30], $0x80, s15, s30, $0xb8;
	[tilespmem:$0x1F080] =	vst v63  }
.LBB2_3:
0xcc: {  	p0 =	sne.s32 s1, $0x9E00;
	[tilespmem:s0+$0x5270] =	vst v4  }
0xcd: {  	[tilespmem:s0+$0x5200] =	vst v4  }
0xce: {  	[tilespmem:s0+$0x5210] =	vst v4  }
.Ltmp0:
0xcf: {  	[tilespmem:s0+$0x5220] =	vst v4;
	(pc) =	sbr.rel @p0 .LBB2_3-.Ltmp0, $4  }
0xd0: {  	[tilespmem:s0+$0x5230] =	vst v4  }
0xd1: {  	[tilespmem:s0+$0x5240] =	vst v4  }
0xd2: {  	[tilespmem:s0+$0x5250] =	vst v4  }
0xd3: {  	[tilespmem:s0+$0x5260] =	vst v4;
	s0 =	sshra.s32 s1, $0x2;
	s1 =	sadd.s32 $0x200, s1  }
0xd4: {  	[tilespmem:s0+$0x5270] =	vst v4  }
0xd5: {  	[tilespmem:s0+$0x5200] =	vst v4  }
0xd6: {  	[tilespmem:s0+$0x5210] =	vst v4  }
0xd7: {  	[tilespmem:s0+$0x5220] =	vst v4  }
0xd8: {  	[tilespmem:s0+$0x5230] =	vst v4  }
0xd9: {  	[tilespmem:s0+$0x5240] =	vst v4  }
0xda: {  	[tilespmem:s0+$0x5250] =	vst v4  }
0xdb: {  	[tilespmem:s0+$0x5260] =	vst v4  }
0xdc: {  	_ =	swait.ge [sflag:s2], $0x5000  }
0xdd: {  	[sflag:s2] =	ssyncset.done $0x0  }
0xde: {  	[sflag:s2] =	ssyncadd.s32 $0xFFFFB000  }
0xdf: {  	_ =	swait.ge [sflag:s4], $0x2800  }
0xe0: {  	[sflag:s4] =	ssyncset.done $0x0  }
0xe1: {  	[sflag:s4] =	ssyncadd.s32 $0xFFFFD800  }
0xe2: {  	v44 =	vld.idx.msk [tilespmem:v3+s31+$0x0], $0xffff  }
0xe3: {  	v45 =	vld.idx.msk [tilespmem:v5+s19+$0x0], $0xffff;
	_ =	sdelay $0x4  }
0xe4: {  	v44 =	vadd.f32 v45, v44;
	_ =	sdelay $0x1  }
0xe5: {  	v45 =	vmul.f32 $2.000000030e-01, v44  }
0xe6: {  	vm1 =	vge.f32 v44, $0.0e+00  }
0xe7: {  	v44 =	vsel vm1, v44, v45  }
0xe8: {  	v44 =	vmul.f32 $1.442695020e+00, v44;
	_ =	sdelay $0x1  }
0xe9: {  	v62 =	vld [tilespmem:$0x0];
	(erf) = vpow2.f32 v44;
	_ =	sdelay $0x3  }
0xea: {  	v63 =	vld [tilespmem:$0x80]  }
0xeb: {  	v46 =	vshll.u32 v62, $0x2  }
0xec: {  	v46 =	vand.u32 $0x7C, v46  }
0xed: {  	v47 =	vor.u32 v3, v46;
	_ =	sdelay $0x1  }
0xee: {  	vm1 =	veq.s32 v62, v63;
	v48 =	vpop (erf)  }
0xef: {  	v44 =	vsel vm1, $0x0, v48  }
0xf0: {  	[tilespmem:$0x7A00] =	vst v44  }
0xf1: {  	[tilespmem:v47+s12+$0x0] =	vst.idx.msk $0xffff, v44  }
0xf2: {  	v44 =	vld.idx.msk [tilespmem:v6+s31+$0x0], $0xffff  }
0xf3: {  	v47 =	vld.idx.msk [tilespmem:v7+s19+$0x0], $0xffff;
	_ =	sdelay $0x4  }
0xf4: {  	v44 =	vadd.f32 v47, v44;
	_ =	sdelay $0x1  }
0xf5: {  	v47 =	vmul.f32 $2.000000030e-01, v44  }
0xf6: {  	vm2 =	vge.f32 v44, $0.0e+00  }
0xf7: {  	v44 =	vsel vm2, v44, v47  }
0xf8: {  	v44 =	vmul.f32 $1.442695020e+00, v44;
	_ =	sdelay $0x1  }
0xf9: {  	(erf) = vpow2.f32 v44;
	_ =	sdelay $0x6  }
0xfa: {  	v49 =	vor.u32 v6, v46;
	_ =	sdelay $0x1  }
0xfb: {  	v50 =	vpop (erf)  }
0xfc: {  	v47 =	vsel vm1, $0x0, v50  }
0xfd: {  	[tilespmem:$0x7A50] =	vst v47  }
0xfe: {  	[tilespmem:v49+s12+$0x0] =	vst.idx.msk $0xffff, v47  }
0xff: {  	v44 =	vld.idx.msk [tilespmem:v8+s31+$0x0], $0xffff  }
0x100: {  	v47 =	vld.idx.msk [tilespmem:v9+s19+$0x0], $0xffff;
	_ =	sdelay $0x4  }
0x101: {  	v44 =	vadd.f32 v47, v44;
	_ =	sdelay $0x1  }
0x102: {  	v47 =	vmul.f32 $2.000000030e-01, v44  }
0x103: {  	vm2 =	vge.f32 v44, $0.0e+00  }
0x104: {  	v44 =	vsel vm2, v44, v47  }
0x105: {  	v44 =	vmul.f32 $1.442695020e+00, v44;
	_ =	sdelay $0x1  }
0x106: {  	(erf) = vpow2.f32 v44;
	_ =	sdelay $0x6  }
0x107: {  	v51 =	vor.u32 v8, v46;
	_ =	sdelay $0x1  }
0x108: {  	v52 =	vpop (erf)  }
0x109: {  	v47 =	vsel vm1, $0x0, v52  }
0x10a: {  	[tilespmem:$0x7AA0] =	vst v47  }
0x10b: {  	[tilespmem:v51+s12+$0x0] =	vst.idx.msk $0xffff, v47  }
0x10c: {  	v44 =	vld.idx.msk [tilespmem:v10+s31+$0x0], $0xffff  }
0x10d: {  	v47 =	vld.idx.msk [tilespmem:v11+s19+$0x0], $0xffff;
	_ =	sdelay $0x4  }
0x10e: {  	v44 =	vadd.f32 v47, v44;
	_ =	sdelay $0x1  }
0x10f: {  	v47 =	vmul.f32 $2.000000030e-01, v44  }
0x110: {  	vm2 =	vge.f32 v44, $0.0e+00  }
0x111: {  	v44 =	vsel vm2, v44, v47  }
0x112: {  	v44 =	vmul.f32 $1.442695020e+00, v44;
	_ =	sdelay $0x1  }
0x113: {  	(erf) = vpow2.f32 v44;
	_ =	sdelay $0x6  }
0x114: {  	v53 =	vor.u32 v10, v46;
	_ =	sdelay $0x1  }
0x115: {  	v54 =	vpop (erf)  }
0x116: {  	v46 =	vsel vm1, $0x0, v54  }
0x117: {  	[tilespmem:$0x7AF0] =	vst v46  }
0x118: {  	v55 =	vshrl.u32 v62, $0x5;
	[tilespmem:v53+s12+$0x0] =	vst.idx.msk $0xffff, v46  }
0x119: {  	[tilespmem:$0x180] =	vst v55  }
0x11a: {  	v44 =	vld.idx.msk [tilespmem:v12+s31+$0x0], $0xffff  }
0x11b: {  	v56 =	vld.idx.msk [tilespmem:v13+s19+$0x0], $0xffff;
	_ =	sdelay $0x4  }
0x11c: {  	v44 =	vadd.f32 v56, v44;
	_ =	sdelay $0x1  }
0x11d: {  	v45 =	vmul.f32 $2.000000030e-01, v44  }
0x11e: {  	vm1 =	vge.f32 v44, $0.0e+00  }
0x11f: {  	v44 =	vsel vm1, v44, v45  }
0x120: {  	v44 =	vmul.f32 $1.442695020e+00, v44;
	_ =	sdelay $0x1  }
0x121: {  	v57 =	vld [tilespmem:$0x10];
	(erf) = vpow2.f32 v44;
	_ =	sdelay $0x3  }
0x122: {  	v58 =	vld [tilespmem:$0x90]  }
0x123: {  	v59 =	vshll.u32 v57, $0x2  }
0x124: {  	v46 =	vand.u32 $0x7C, v59  }
0x125: {  	v60 =	vor.u32 v12, v46;
	_ =	sdelay $0x1  }
0x126: {  	vm1 =	veq.s32 v57, v58;
	v61 =	vpop (erf)  }
0x127: {  	v44 =	vsel vm1, $0x0, v61  }
0x128: {  	[tilespmem:$0x7A10] =	vst v44  }
0x129: {  	[tilespmem:v60+s12+$0x0] =	vst.idx.msk $0xffff, v44  }
0x12a: {  	v44 =	vld.idx.msk [tilespmem:v14+s31+$0x0], $0xffff  }
0x12b: {  	v47 =	vld.idx.msk [tilespmem:v15+s19+$0x0], $0xffff;
	_ =	sdelay $0x4  }
0x12c: {  	v44 =	vadd.f32 v47, v44;
	_ =	sdelay $0x1  }
0x12d: {  	v47 =	vmul.f32 $2.000000030e-01, v44  }
0x12e: {  	vm2 =	vge.f32 v44, $0.0e+00  }
0x12f: {  	v44 =	vsel vm2, v44, v47  }
0x130: {  	v44 =	vmul.f32 $1.442695020e+00, v44;
	_ =	sdelay $0x1  }
0x131: {  	(erf) = vpow2.f32 v44;
	_ =	sdelay $0x6  }
0x132: {  	v62 =	vor.u32 v14, v46;
	_ =	sdelay $0x1  }
0x133: {  	v63 =	vpop (erf)  }
0x134: {  	v47 =	vsel vm1, $0x0, v63  }
0x135: {  	[tilespmem:$0x7A60] =	vst v47  }
0x136: {  	[tilespmem:v62+s12+$0x0] =	vst.idx.msk $0xffff, v47  }
0x137: {  	v44 =	vld.idx.msk [tilespmem:v16+s31+$0x0], $0xffff  }
0x138: {  	v47 =	vld.idx.msk [tilespmem:v17+s19+$0x0], $0xffff;
	_ =	sdelay $0x4  }
0x139: {  	v44 =	vadd.f32 v47, v44;
	_ =	sdelay $0x1  }
0x13a: {  	v47 =	vmul.f32 $2.000000030e-01, v44  }
0x13b: {  	vm2 =	vge.f32 v44, $0.0e+00  }
0x13c: {  	v44 =	vsel vm2, v44, v47  }
0x13d: {  	v44 =	vmul.f32 $1.442695020e+00, v44;
	_ =	sdelay $0x1  }
0x13e: {  	(erf) = vpow2.f32 v44;
	_ =	sdelay $0x6  }
0x13f: {  	v48 =	vor.u32 v16, v46;
	_ =	sdelay $0x1  }
0x140: {  	v49 =	vpop (erf)  }
0x141: {  	v47 =	vsel vm1, $0x0, v49  }
0x142: {  	[tilespmem:$0x7AB0] =	vst v47  }
0x143: {  	[tilespmem:v48+s12+$0x0] =	vst.idx.msk $0xffff, v47  }
0x144: {  	v44 =	vld.idx.msk [tilespmem:v18+s31+$0x0], $0xffff  }
0x145: {  	v47 =	vld.idx.msk [tilespmem:v19+s19+$0x0], $0xffff;
	_ =	sdelay $0x4  }
0x146: {  	v44 =	vadd.f32 v47, v44;
	_ =	sdelay $0x1  }
0x147: {  	v47 =	vmul.f32 $2.000000030e-01, v44  }
0x148: {  	vm2 =	vge.f32 v44, $0.0e+00  }
0x149: {  	v44 =	vsel vm2, v44, v47  }
0x14a: {  	v44 =	vmul.f32 $1.442695020e+00, v44;
	_ =	sdelay $0x1  }
0x14b: {  	(erf) = vpow2.f32 v44;
	_ =	sdelay $0x6  }
0x14c: {  	v50 =	vor.u32 v18, v46;
	_ =	sdelay $0x1  }
0x14d: {  	v51 =	vpop (erf)  }
0x14e: {  	v46 =	vsel vm1, $0x0, v51  }
0x14f: {  	[tilespmem:$0x7B00] =	vst v46  }
0x150: {  	v52 =	vshrl.u32 v57, $0x5;
	[tilespmem:v50+s12+$0x0] =	vst.idx.msk $0xffff, v46  }
0x151: {  	[tilespmem:$0x190] =	vst v52  }
0x152: {  	v44 =	vld.idx.msk [tilespmem:v20+s31+$0x0], $0xffff  }
0x153: {  	v53 =	vld.idx.msk [tilespmem:v21+s19+$0x0], $0xffff;
	_ =	sdelay $0x4  }
0x154: {  	v44 =	vadd.f32 v53, v44;
	_ =	sdelay $0x1  }
0x155: {  	v45 =	vmul.f32 $2.000000030e-01, v44  }
0x156: {  	vm1 =	vge.f32 v44, $0.0e+00  }
0x157: {  	v44 =	vsel vm1, v44, v45  }
0x158: {  	v44 =	vmul.f32 $1.442695020e+00, v44;
	_ =	sdelay $0x1  }
0x159: {  	v54 =	vld [tilespmem:$0x20];
	(erf) = vpow2.f32 v44;
	_ =	sdelay $0x3  }
0x15a: {  	v55 =	vld [tilespmem:$0xA0]  }
0x15b: {  	v56 =	vshll.u32 v54, $0x2  }
0x15c: {  	v46 =	vand.u32 $0x7C, v56  }
0x15d: {  	v57 =	vor.u32 v20, v46;
	_ =	sdelay $0x1  }
0x15e: {  	vm1 =	veq.s32 v54, v55;
	v58 =	vpop (erf)  }
0x15f: {  	v44 =	vsel vm1, $0x0, v58  }
0x160: {  	[tilespmem:$0x7A20] =	vst v44  }
0x161: {  	[tilespmem:v57+s12+$0x0] =	vst.idx.msk $0xffff, v44  }
0x162: {  	v44 =	vld.idx.msk [tilespmem:v22+s31+$0x0], $0xffff  }
0x163: {  	v47 =	vld.idx.msk [tilespmem:v23+s19+$0x0], $0xffff;
	_ =	sdelay $0x4  }
0x164: {  	v44 =	vadd.f32 v47, v44;
	_ =	sdelay $0x1  }
0x165: {  	v47 =	vmul.f32 $2.000000030e-01, v44  }
0x166: {  	vm2 =	vge.f32 v44, $0.0e+00  }
0x167: {  	v44 =	vsel vm2, v44, v47  }
0x168: {  	v44 =	vmul.f32 $1.442695020e+00, v44;
	_ =	sdelay $0x1  }
0x169: {  	(erf) = vpow2.f32 v44;
	_ =	sdelay $0x6  }
0x16a: {  	v59 =	vor.u32 v22, v46;
	_ =	sdelay $0x1  }
0x16b: {  	v60 =	vpop (erf)  }
0x16c: {  	v47 =	vsel vm1, $0x0, v60  }
0x16d: {  	[tilespmem:$0x7A70] =	vst v47  }
0x16e: {  	[tilespmem:v59+s12+$0x0] =	vst.idx.msk $0xffff, v47  }
0x16f: {  	v44 =	vld.idx.msk [tilespmem:v24+s31+$0x0], $0xffff  }
0x170: {  	v47 =	vld.idx.msk [tilespmem:v25+s19+$0x0], $0xffff;
	_ =	sdelay $0x4  }
0x171: {  	v44 =	vadd.f32 v47, v44;
	_ =	sdelay $0x1  }
0x172: {  	v47 =	vmul.f32 $2.000000030e-01, v44  }
0x173: {  	vm2 =	vge.f32 v44, $0.0e+00  }
0x174: {  	v44 =	vsel vm2, v44, v47  }
0x175: {  	v44 =	vmul.f32 $1.442695020e+00, v44;
	_ =	sdelay $0x1  }
0x176: {  	(erf) = vpow2.f32 v44;
	_ =	sdelay $0x6  }
0x177: {  	v61 =	vor.u32 v24, v46;
	_ =	sdelay $0x1  }
0x178: {  	v62 =	vpop (erf)  }
0x179: {  	v47 =	vsel vm1, $0x0, v62  }
0x17a: {  	[tilespmem:$0x7AC0] =	vst v47  }
0x17b: {  	[tilespmem:v61+s12+$0x0] =	vst.idx.msk $0xffff, v47  }
0x17c: {  	v44 =	vld.idx.msk [tilespmem:v26+s31+$0x0], $0xffff  }
0x17d: {  	v47 =	vld.idx.msk [tilespmem:v27+s19+$0x0], $0xffff;
	_ =	sdelay $0x4  }
0x17e: {  	v44 =	vadd.f32 v47, v44;
	_ =	sdelay $0x1  }
0x17f: {  	v47 =	vmul.f32 $2.000000030e-01, v44  }
0x180: {  	vm2 =	vge.f32 v44, $0.0e+00  }
0x181: {  	v44 =	vsel vm2, v44, v47  }
0x182: {  	v44 =	vmul.f32 $1.442695020e+00, v44;
	_ =	sdelay $0x1  }
0x183: {  	(erf) = vpow2.f32 v44;
	_ =	sdelay $0x6  }
0x184: {  	v63 =	vor.u32 v26, v46;
	_ =	sdelay $0x1  }
0x185: {  	v48 =	vpop (erf)  }
0x186: {  	v46 =	vsel vm1, $0x0, v48  }
0x187: {  	[tilespmem:$0x7B10] =	vst v46  }
0x188: {  	v49 =	vshrl.u32 v54, $0x5;
	[tilespmem:v63+s12+$0x0] =	vst.idx.msk $0xffff, v46  }
0x189: {  	[tilespmem:$0x1A0] =	vst v49  }
0x18a: {  	v44 =	vld.idx.msk [tilespmem:v28+s31+$0x0], $0xffff  }
0x18b: {  	v50 =	vld.idx.msk [tilespmem:v29+s19+$0x0], $0xffff;
	_ =	sdelay $0x4  }
0x18c: {  	v44 =	vadd.f32 v50, v44;
	_ =	sdelay $0x1  }
0x18d: {  	v45 =	vmul.f32 $2.000000030e-01, v44  }
0x18e: {  	vm1 =	vge.f32 v44, $0.0e+00  }
0x18f: {  	v44 =	vsel vm1, v44, v45  }
0x190: {  	v44 =	vmul.f32 $1.442695020e+00, v44;
	_ =	sdelay $0x1  }
0x191: {  	v51 =	vld [tilespmem:$0x30];
	(erf) = vpow2.f32 v44;
	_ =	sdelay $0x3  }
0x192: {  	v52 =	vld [tilespmem:$0xB0]  }
0x193: {  	v53 =	vshll.u32 v51, $0x2  }
0x194: {  	v46 =	vand.u32 $0x7C, v53  }
0x195: {  	v54 =	vor.u32 v28, v46;
	_ =	sdelay $0x1  }
0x196: {  	vm1 =	veq.s32 v51, v52;
	v55 =	vpop (erf)  }
0x197: {  	v44 =	vsel vm1, $0x0, v55  }
0x198: {  	[tilespmem:$0x7A30] =	vst v44  }
0x199: {  	[tilespmem:v54+s12+$0x0] =	vst.idx.msk $0xffff, v44  }
0x19a: {  	v44 =	vld.idx.msk [tilespmem:v30+s31+$0x0], $0xffff  }
0x19b: {  	v47 =	vld.idx.msk [tilespmem:v31+s19+$0x0], $0xffff;
	_ =	sdelay $0x4  }
0x19c: {  	v44 =	vadd.f32 v47, v44;
	_ =	sdelay $0x1  }
0x19d: {  	v47 =	vmul.f32 $2.000000030e-01, v44  }
0x19e: {  	vm2 =	vge.f32 v44, $0.0e+00  }
0x19f: {  	v44 =	vsel vm2, v44, v47  }
0x1a0: {  	v44 =	vmul.f32 $1.442695020e+00, v44;
	_ =	sdelay $0x1  }
0x1a1: {  	(erf) = vpow2.f32 v44;
	_ =	sdelay $0x6  }
0x1a2: {  	v56 =	vor.u32 v30, v46;
	_ =	sdelay $0x1  }
0x1a3: {  	v57 =	vpop (erf)  }
0x1a4: {  	v47 =	vsel vm1, $0x0, v57  }
0x1a5: {  	[tilespmem:$0x7A80] =	vst v47  }
0x1a6: {  	[tilespmem:v56+s12+$0x0] =	vst.idx.msk $0xffff, v47  }
0x1a7: {  	v44 =	vld.idx.msk [tilespmem:v32+s31+$0x0], $0xffff  }
0x1a8: {  	v47 =	vld.idx.msk [tilespmem:v33+s19+$0x0], $0xffff;
	_ =	sdelay $0x4  }
0x1a9: {  	v44 =	vadd.f32 v47, v44;
	_ =	sdelay $0x1  }
0x1aa: {  	v47 =	vmul.f32 $2.000000030e-01, v44  }
0x1ab: {  	vm2 =	vge.f32 v44, $0.0e+00  }
0x1ac: {  	v44 =	vsel vm2, v44, v47  }
0x1ad: {  	v44 =	vmul.f32 $1.442695020e+00, v44;
	_ =	sdelay $0x1  }
0x1ae: {  	(erf) = vpow2.f32 v44;
	_ =	sdelay $0x6  }
0x1af: {  	v58 =	vor.u32 v32, v46;
	_ =	sdelay $0x1  }
0x1b0: {  	v59 =	vpop (erf)  }
0x1b1: {  	v47 =	vsel vm1, $0x0, v59  }
0x1b2: {  	[tilespmem:$0x7AD0] =	vst v47  }
0x1b3: {  	[tilespmem:v58+s12+$0x0] =	vst.idx.msk $0xffff, v47  }
0x1b4: {  	v44 =	vld.idx.msk [tilespmem:v34+s31+$0x0], $0xffff  }
0x1b5: {  	v47 =	vld.idx.msk [tilespmem:v35+s19+$0x0], $0xffff;
	_ =	sdelay $0x4  }
0x1b6: {  	v44 =	vadd.f32 v47, v44;
	_ =	sdelay $0x1  }
0x1b7: {  	v47 =	vmul.f32 $2.000000030e-01, v44  }
0x1b8: {  	vm2 =	vge.f32 v44, $0.0e+00  }
0x1b9: {  	v44 =	vsel vm2, v44, v47  }
0x1ba: {  	v44 =	vmul.f32 $1.442695020e+00, v44;
	_ =	sdelay $0x1  }
0x1bb: {  	(erf) = vpow2.f32 v44;
	_ =	sdelay $0x6  }
0x1bc: {  	v60 =	vor.u32 v34, v46;
	_ =	sdelay $0x1  }
0x1bd: {  	v61 =	vpop (erf)  }
0x1be: {  	v46 =	vsel vm1, $0x0, v61  }
0x1bf: {  	[tilespmem:$0x7B20] =	vst v46  }
0x1c0: {  	v62 =	vshrl.u32 v51, $0x5;
	[tilespmem:v60+s12+$0x0] =	vst.idx.msk $0xffff, v46  }
0x1c1: {  	[tilespmem:$0x1B0] =	vst v62  }
0x1c2: {  	v44 =	vld.idx.msk [tilespmem:v36+s31+$0x0], $0xffff  }
0x1c3: {  	v63 =	vld.idx.msk [tilespmem:v37+s19+$0x0], $0xffff;
	_ =	sdelay $0x4  }
0x1c4: {  	v44 =	vadd.f32 v63, v44;
	_ =	sdelay $0x1  }
0x1c5: {  	v45 =	vmul.f32 $2.000000030e-01, v44  }
0x1c6: {  	vm1 =	vge.f32 v44, $0.0e+00  }
0x1c7: {  	v44 =	vsel vm1, v44, v45  }
0x1c8: {  	v44 =	vmul.f32 $1.442695020e+00, v44;
	_ =	sdelay $0x1  }
0x1c9: {  	v48 =	vld [tilespmem:$0x40];
	(erf) = vpow2.f32 v44;
	_ =	sdelay $0x3  }
0x1ca: {  	v49 =	vld [tilespmem:$0xC0]  }
0x1cb: {  	v50 =	vshll.u32 v48, $0x2  }
0x1cc: {  	v46 =	vand.u32 $0x7C, v50  }
0x1cd: {  	v51 =	vor.u32 v36, v46;
	_ =	sdelay $0x1  }
0x1ce: {  	vm1 =	veq.s32 v48, v49;
	v52 =	vpop (erf)  }
0x1cf: {  	v44 =	vsel vm1, $0x0, v52  }
0x1d0: {  	[tilespmem:$0x7A40] =	vst v44  }
0x1d1: {  	[tilespmem:v51+s12+$0x0] =	vst.idx.msk $0xffff, v44  }
0x1d2: {  	v44 =	vld.idx.msk [tilespmem:v38+s31+$0x0], $0xffff  }
0x1d3: {  	v47 =	vld.idx.msk [tilespmem:v39+s19+$0x0], $0xffff;
	_ =	sdelay $0x4  }
0x1d4: {  	v44 =	vadd.f32 v47, v44;
	_ =	sdelay $0x1  }
0x1d5: {  	v47 =	vmul.f32 $2.000000030e-01, v44  }
0x1d6: {  	vm2 =	vge.f32 v44, $0.0e+00  }
0x1d7: {  	v44 =	vsel vm2, v44, v47  }
0x1d8: {  	v44 =	vmul.f32 $1.442695020e+00, v44;
	_ =	sdelay $0x1  }
0x1d9: {  	(erf) = vpow2.f32 v44;
	_ =	sdelay $0x6  }
0x1da: {  	v53 =	vor.u32 v38, v46;
	_ =	sdelay $0x1  }
0x1db: {  	v54 =	vpop (erf)  }
0x1dc: {  	v47 =	vsel vm1, $0x0, v54  }
0x1dd: {  	[tilespmem:$0x7A90] =	vst v47  }
0x1de: {  	[tilespmem:v53+s12+$0x0] =	vst.idx.msk $0xffff, v47  }
0x1df: {  	v44 =	vld.idx.msk [tilespmem:v40+s31+$0x0], $0xffff  }
0x1e0: {  	v47 =	vld.idx.msk [tilespmem:v41+s19+$0x0], $0xffff;
	_ =	sdelay $0x4  }
0x1e1: {  	v44 =	vadd.f32 v47, v44;
	_ =	sdelay $0x1  }
0x1e2: {  	v47 =	vmul.f32 $2.000000030e-01, v44  }
0x1e3: {  	vm2 =	vge.f32 v44, $0.0e+00  }
0x1e4: {  	v44 =	vsel vm2, v44, v47  }
0x1e5: {  	v44 =	vmul.f32 $1.442695020e+00, v44;
	_ =	sdelay $0x1  }
0x1e6: {  	(erf) = vpow2.f32 v44;
	_ =	sdelay $0x6  }
0x1e7: {  	v55 =	vor.u32 v40, v46;
	_ =	sdelay $0x1  }
0x1e8: {  	v56 =	vpop (erf)  }
0x1e9: {  	v47 =	vsel vm1, $0x0, v56  }
0x1ea: {  	[tilespmem:$0x7AE0] =	vst v47  }
0x1eb: {  	[tilespmem:v55+s12+$0x0] =	vst.idx.msk $0xffff, v47  }
0x1ec: {  	v44 =	vld.idx.msk [tilespmem:v42+s31+$0x0], $0xffff  }
0x1ed: {  	v47 =	vld.idx.msk [tilespmem:v43+s19+$0x0], $0xffff;
	_ =	sdelay $0x4  }
0x1ee: {  	v44 =	vadd.f32 v47, v44;
	_ =	sdelay $0x1  }
0x1ef: {  	v47 =	vmul.f32 $2.000000030e-01, v44  }
0x1f0: {  	vm2 =	vge.f32 v44, $0.0e+00  }
0x1f1: {  	v44 =	vsel vm2, v44, v47  }
0x1f2: {  	v44 =	vmul.f32 $1.442695020e+00, v44;
	_ =	sdelay $0x1  }
0x1f3: {  	(erf) = vpow2.f32 v44;
	_ =	sdelay $0x6  }
0x1f4: {  	v57 =	vor.u32 v42, v46  }
0x1f5: {  	s10 =	simm.s32 $0x0  }
0x1f6: {  	v59 =	vmov s10;
	v58 =	vpop (erf)  }
0x1f7: {  	v46 =	vsel vm1, $0x0, v58  }
0x1f8: {  	[tilespmem:$0x7B30] =	vst v46  }
0x1f9: {  	v60 =	vshrl.u32 v48, $0x5;
	[tilespmem:v57+s12+$0x0] =	vst.idx.msk $0xffff, v46  }
0x1fa: {  	s15 =	sand.u32 $0x7800, s10;
	s1 =	sand.u32 $0x380, s10;
	[tilespmem:$0x1C0] =	vst v60  }
0x1fb: {  	s0 =	sor.u32 s1, s15;
	v62 =	vld.idx.msk [tilespmem:v59+s13+$0x0], $0xffff  }
0x1fc: {  	v61 =	vadd.s32 $0xF0, v59;
	v48 =	vld [tilespmem:s0+$0x200]  }
0x1fd: {  	v63 =	vadd.s32 $0xA0, v59  }
0x1fe: {  	v47 =	vadd.s32 $0x50, v59;
	_ =	sdelay $0x2  }
0x1ff: {  	v44 =	vld.idx.msk [tilespmem:v61+s13+$0x0], $0xffff;
	v48 =	vmul.f32 v48, v62  }
0x200: {  	s15 =	simm.s32 $0x7CC0;
	v46 =	vld.idx.msk [tilespmem:v63+s13+$0x0], $0xffff  }
0x201: {  	v47 =	vld.idx.msk [tilespmem:v47+s13+$0x0], $0xffff;
	[tilespmem:s15+$0xFFFFFFC0] =	vst v48  }
0x202: {  	v48 =	vld [tilespmem:s0+$0x210];
	_ =	sdelay $0x4  }
0x203: {  	v45 =	vmul.f32 v48, v62;
	_ =	sdelay $0x1  }
0x204: {  	[tilespmem:s15+$0xFFFFFFD0] =	vst v45  }
0x205: {  	v45 =	vld [tilespmem:s0+$0x220];
	_ =	sdelay $0x4  }
0x206: {  	v45 =	vmul.f32 v45, v47;
	_ =	sdelay $0x1  }
0x207: {  	[tilespmem:s15+$0xFFFFFFE0] =	vst v45  }
0x208: {  	v45 =	vld [tilespmem:s0+$0x230];
	_ =	sdelay $0x4  }
0x209: {  	v45 =	vmul.f32 v45, v47;
	_ =	sdelay $0x1  }
0x20a: {  	[tilespmem:s15+$0xFFFFFFF0] =	vst v45  }
0x20b: {  	v45 =	vld [tilespmem:s0+$0x240];
	_ =	sdelay $0x4  }
0x20c: {  	v45 =	vmul.f32 v45, v46;
	_ =	sdelay $0x1  }
0x20d: {  	[tilespmem:s15+$0x0] =	vst v45  }
0x20e: {  	v45 =	vld [tilespmem:s0+$0x250];
	_ =	sdelay $0x4  }
0x20f: {  	v45 =	vmul.f32 v45, v46;
	_ =	sdelay $0x1  }
0x210: {  	[tilespmem:s15+$0x10] =	vst v45  }
0x211: {  	v45 =	vld [tilespmem:s0+$0x260];
	_ =	sdelay $0x4  }
0x212: {  	v45 =	vmul.f32 v45, v44;
	_ =	sdelay $0x1  }
0x213: {  	[tilespmem:s15+$0x20] =	vst v45  }
0x214: {  	v46 =	vld [tilespmem:s0+$0x270];
	_ =	sdelay $0x1  }
0x215: {  	s18 =	simm.s32 $0x1  }
0x216: {  	s1 =	simm.s32 $0x2;
	v45 =	vmov s18;
	s0 =	simm.s32 $0x0  }
.LBB2_5:
0x217: {  	p0 =	sne.s32 s1, $0x4F  }
0x218: {  	v47 =	vadd.s32 $0xF0, v45;
	v44 =	vmul.f32 v46, v44  }
0x219: {  	s10 =	sadd.s32 $0x100, s10;
	s0 =	sadd.s32 $0x80, s0;
	v46 =	vadd.s32 $0xA0, v45  }
0x21a: {  	v48 =	vadd.s32 $0x50, v45;
	s3 =	sand.u32 $0x7800, s10;
	s18 =	sand.u32 $0x380, s0;
	[tilespmem:s15+$0x30] =	vst v44  }
0x21b: {  	s3 =	sor.u32 s18, s3;
	v45 =	vld.idx.msk [tilespmem:v45+s13+$0x0], $0xffff  }
0x21c: {  	v49 =	vld [tilespmem:s3+$0x200]  }
0x21d: {  	v44 =	vld.idx.msk [tilespmem:v47+s13+$0x0], $0xffff  }
0x21e: {  	v46 =	vld.idx.msk [tilespmem:v46+s13+$0x0], $0xffff  }
0x21f: {  	v47 =	vld.idx.msk [tilespmem:v48+s13+$0x0], $0xffff;
	_ =	sdelay $0x1  }
0x220: {  	v48 =	vmul.f32 v49, v45  }
0x221: {  	s15 =	sadd.s32 $0x80, s15  }
0x222: {  	[tilespmem:s15+$0xFFFFFFC0] =	vst v48  }
0x223: {  	v48 =	vld [tilespmem:s3+$0x210];
	_ =	sdelay $0x4  }
0x224: {  	v45 =	vmul.f32 v48, v45;
	_ =	sdelay $0x1  }
0x225: {  	[tilespmem:s15+$0xFFFFFFD0] =	vst v45  }
0x226: {  	v45 =	vld [tilespmem:s3+$0x220];
	_ =	sdelay $0x4  }
0x227: {  	v45 =	vmul.f32 v45, v47;
	_ =	sdelay $0x1  }
0x228: {  	[tilespmem:s15+$0xFFFFFFE0] =	vst v45  }
0x229: {  	v45 =	vld [tilespmem:s3+$0x230];
	_ =	sdelay $0x4  }
0x22a: {  	v45 =	vmul.f32 v45, v47;
	_ =	sdelay $0x1  }
0x22b: {  	[tilespmem:s15+$0xFFFFFFF0] =	vst v45  }
0x22c: {  	v45 =	vld [tilespmem:s3+$0x240];
	_ =	sdelay $0x4  }
0x22d: {  	v45 =	vmul.f32 v45, v46;
	_ =	sdelay $0x1  }
0x22e: {  	[tilespmem:s15+$0x0] =	vst v45  }
0x22f: {  	v45 =	vld [tilespmem:s3+$0x250];
	_ =	sdelay $0x4  }
0x230: {  	v45 =	vmul.f32 v45, v46;
	_ =	sdelay $0x1  }
0x231: {  	[tilespmem:s15+$0x10] =	vst v45  }
0x232: {  	v45 =	vld [tilespmem:s3+$0x260];
	_ =	sdelay $0x4  }
0x233: {  	v45 =	vmul.f32 v45, v44;
	_ =	sdelay $0x1  }
.Ltmp1:
0x234: {  	[tilespmem:s15+$0x20] =	vst v45;
	(pc) =	sbr.rel @p0 .LBB2_5-.Ltmp1, $2  }
0x235: {  	v46 =	vld [tilespmem:s3+$0x270];
	_ =	sdelay $0x2  }
0x236: {  	v45 =	vmov s1;
	s1 =	sadd.s32 $0x1, s1  }
0x237: {  	_ = 	snop  }
0x238: {  	v44 =	vmul.f32 v46, v44  }
0x239: {  	s1 =	sadd.s32 $0x100, s10;
	s0 =	sadd.s32 $0x80, s0  }
0x23a: {  	s1 =	sand.u32 $0x7800, s1;
	s0 =	sand.u32 $0x380, s0;
	[tilespmem:s15+$0x30] =	vst v44  }
0x23b: {  	s0 =	sor.u32 s0, s1;
	v58 =	vld.idx.msk [tilespmem:v45+s13+$0x0], $0xffff  }
0x23c: {  	v57 =	vadd.s32 $0xF0, v45;
	v48 =	vld [tilespmem:s0+$0x200]  }
0x23d: {  	v47 =	vadd.s32 $0xA0, v45  }
0x23e: {  	v59 =	vadd.s32 $0x50, v45;
	_ =	sdelay $0x2  }
0x23f: {  	v44 =	vld.idx.msk [tilespmem:v57+s13+$0x0], $0xffff;
	v48 =	vmul.f32 v48, v58  }
0x240: {  	s10 =	sadd.s32 $0x80, s15;
	v47 =	vld.idx.msk [tilespmem:v47+s13+$0x0], $0xffff  }
0x241: {  	v45 =	vld.idx.msk [tilespmem:v59+s13+$0x0], $0xffff;
	[tilespmem:s10+$0xFFFFFFC0] =	vst v48  }
0x242: {  	v48 =	vld [tilespmem:s0+$0x210];
	_ =	sdelay $0x4  }
0x243: {  	v46 =	vmul.f32 v48, v58;
	_ =	sdelay $0x1  }
0x244: {  	[tilespmem:s10+$0xFFFFFFD0] =	vst v46  }
0x245: {  	v46 =	vld [tilespmem:s0+$0x220];
	_ =	sdelay $0x4  }
0x246: {  	v46 =	vmul.f32 v46, v45;
	_ =	sdelay $0x1  }
0x247: {  	[tilespmem:s10+$0xFFFFFFE0] =	vst v46  }
0x248: {  	v46 =	vld [tilespmem:s0+$0x230];
	_ =	sdelay $0x4  }
0x249: {  	v45 =	vmul.f32 v46, v45;
	_ =	sdelay $0x1  }
0x24a: {  	[tilespmem:s10+$0xFFFFFFF0] =	vst v45  }
0x24b: {  	v45 =	vld [tilespmem:s0+$0x240];
	_ =	sdelay $0x4  }
0x24c: {  	v45 =	vmul.f32 v45, v47;
	_ =	sdelay $0x1  }
0x24d: {  	[tilespmem:s10+$0x0] =	vst v45  }
0x24e: {  	v45 =	vld [tilespmem:s0+$0x250];
	_ =	sdelay $0x4  }
0x24f: {  	v45 =	vmul.f32 v45, v47;
	_ =	sdelay $0x1  }
0x250: {  	[tilespmem:s10+$0x10] =	vst v45  }
0x251: {  	v45 =	vld [tilespmem:s0+$0x260];
	_ =	sdelay $0x4  }
0x252: {  	v45 =	vmul.f32 v45, v44;
	_ =	sdelay $0x1  }
0x253: {  	[tilespmem:s10+$0x20] =	vst v45  }
0x254: {  	v45 =	vld [tilespmem:s0+$0x270];
	_ =	sdelay $0x4  }
0x255: {  	v44 =	vmul.f32 v45, v44;
	_ =	sdelay $0x1  }
0x256: {  	[tilespmem:s10+$0x30] =	vst v44  }
0x257: {  	v44 =	vld [tilespmem:$0x0]  }
0x258: {  	v60 =	vld [tilespmem:$0x10]  }
0x259: {  	v61 =	vld [tilespmem:$0x20]  }
0x25a: {  	v62 =	vld [tilespmem:$0x30]  }
0x25b: {  	v63 =	vld [tilespmem:$0x40]  }
0x25c: {  	[tilespmem:$0x100] =	vst v44  }
0x25d: {  	s17 =	sadd.s32 $0x1, s17;
	[tilespmem:$0x110] =	vst v60  }
0x25e: {  	p0 =	sne.s32 s17, $0x7D;
	[tilespmem:$0x120] =	vst v61  }
.Ltmp2:
0x25f: {  	[tilespmem:$0x130] =	vst v62;
	(pc) =	sbr.rel @p0 .LBB2_2-.Ltmp2, $4  }
0x260: {  	s15 =	rddreg [dreg:$0x2];
	[tilespmem:$0x140] =	vst v63  }
0x261: {  	[spmem:s15] =	stream.indirect.scatter.add.f32 [tilespmem:s31], [sflag:$0x3], $0x80, s14, s30, $0xb8;
	[tilespmem:$0x1F080] =	vst v63  }
0x262: {  	s18 =	rddreg [dreg:$0x3]  }
0x263: {  	[spmem:s18] =	stream.indirect.scatter.add.f32 [tilespmem:s12], [sflag:$0x4], $0x80, s9, s30, $0xb8;
	[tilespmem:$0x1F080] =	vst v63  }
0x264: {  	s0 =	simm.s32 $0x3  }
0x265: {  	_ =	swait.ge [sflag:s0], $0x2800  }
0x266: {  	[sflag:s0] =	ssyncset.done $0x0  }
0x267: {  	s3 =	simm.s32 $0x4;
	[sflag:s0] =	ssyncadd.s32 $0xFFFFD800  }
0x268: {  	_ =	swait.ge [sflag:s3], $0x2800  }
0x269: {  	[sflag:s3] =	ssyncset.done $0x0  }
0x26a: {  	[sflag:s3] =	ssyncadd.s32 $0xFFFFD800  }
0x26b: {  	[bflag:$0x0] =	sbarrier.arrive $0xFFFF  }
0x26c: {  	s15 =	rddreg [dreg:$0x6]  }
0x26d: {  	s10 =	rddreg [dreg:$0x7]  }
0x26e: {  	s1 =	rddreg [dreg:$0xa]  }
0x26f: {  	[hbm:s10], [sflag:s15] =	dma.local [spmem:s1], $0x2800  }
0x270: {  	_ =	swait.ge [sflag:s16], $0x2800  }
0x271: {  	[sflag:s16] =	ssyncset.done $0x0;
	s17 =	rddreg [dreg:$0x8]  }
0x272: {  	s3 =	rddreg [dreg:$0xb];
	[sflag:s16] =	ssyncadd.s32 $0xFFFFD800  }
0x273: {  	[hbm:s17], [sflag:s15] =	dma.local [spmem:s3], $0x180  }
0x274: {  	_ =	swait.ge [sflag:s16], $0x180  }
0x275: {  	s10 =	rddreg [dreg:$0xc]  }
0x276: {  	s18 =	rddreg [dreg:$0x9];
	s10 =	sadd.s32 $0x1, s10  }
0x277: {  	p0 =	sne.s32 s10, s18  }
.Ltmp3:
0x278: {  	_ = 	snop;
	(pc) =	sbr.rel @p0 .LBB2_1-.Ltmp3, $3  }
0x279: {  	_ =	sdelay $0x1  }
0x27a: {  	[sflag:s16] =	ssyncset.done $0x0  }
0x27b: {  	[sflag:s16] =	ssyncadd.s32 $0xFFFFFE80  }
0x27c: {  	_ =	sfence.sel $0x180000  }
0x27d: {  	[bflag:$0x0] =	sbarrier.arrive $0xFFFF  }
0x27e: {  	_ =	strace $0x90000047  }
0x27f: {  	s0 =	stileid.u32;
	[bflag:$0x2] =	sbarrier.arrive $0xFFFF  }
0x280: {  	p0 =	sne.s32 s0, $0x0;
	s0 =	rddreg [dreg:$0x4]  }
0x281: {  	s0 =	sadd.s32 @!p0 $0x100000, s0  }
0x282: {  	[sflag:s0] =	ssyncadd.tile.s32 @!p0 $0x1;
	_ =	shalt  }
.Lfunc_end2:
_tile_overlayer_lowered:
.L_overlay_start_2:
0x283: {  	(tag) =	ssettag $0x2  }
0x284: {  	s0 =	rddreg [dreg:$0x0];
	s2 =	stileid.u32  }
0x285: {  	s1 =	rddreg [dreg:$0x1];
	p0 =	sne.s32 s2, $0x0  }
0x286: {  	s3 =	rddreg [dreg:$0x2];
	[bflag:$0x3] =	sbarrier.arrive $0xFFFF;
	s2 =	simm.s32 @!p0 $0x1C05  }
0x287: {  	[timem:s3], [sflag:s2] =	dma.local @!p0 [hbm:s0], s1  }
0x288: {  	s0 =	simm.s32 @!p0 $0x5  }
0x289: {  	_ =	swait.ge @!p0 [sflag:s0], s1  }
0x28a: {  	s1 =	ssub.s32 @!p0 $0x0, s1;
	[sflag:s0] =	ssyncset.done @!p0 $0x0  }
0x28b: {  	[sflag:s0] =	ssyncadd.s32 @!p0 s1  }
0x28c: {  	[bflag:$0x3] =	sbarrier.arrive $0xFFFF  }
0x28d: {  	_ =	shalt  }

</sc_bundles>
